<compile_context>
chip_gen: v7x
topology: tpu7x:2x2x1
jax: 0.10.2.dev20260603
libtpu: 0.0.44.dev20260713+nightly
codegen_flags: <defaults>
</compile_context>

<pallas_src>
import functools

import jax
import jax.numpy as jnp
from jax import lax
from jax.experimental import pallas as pl
from jax.experimental.pallas import tpu as pltpu
from jax.experimental.pallas import tpu_sc as plsc

NC, NS = 2, 16
NW = NC * NS
D = 64
DP = 128
CHUNK = 256
NBUF = 4


@functools.partial(jax.jit, static_argnames=("total",))
def _gather(idx2, table2, total):
    b_per_w = total // NW
    n_chunks = b_per_w // CHUNK
    n_waves = n_chunks // NBUF
    mesh = plsc.VectorSubcoreMesh(
        core_axis_name="c", subcore_axis_name="s", num_cores=NC, num_subcores=NS
    )

    @functools.partial(
        pl.kernel,
        mesh=mesh,
        out_type=jax.ShapeDtypeStruct((total, DP), jnp.float32),
        scratch_types=[
            pltpu.VMEM((b_per_w,), jnp.int32),
            pltpu.VMEM((NBUF, CHUNK, D), jnp.float32),
            pltpu.SemaphoreType.DMA,
            pltpu.SemaphoreType.DMA,
            pltpu.SemaphoreType.DMA,
            pltpu.SemaphoreType.DMA,
            pltpu.SemaphoreType.DMA,
            pltpu.SemaphoreType.DMA,
            pltpu.SemaphoreType.DMA,
            pltpu.SemaphoreType.DMA,
        ],
        compiler_params=pltpu.CompilerParams(use_tc_tiling_on_sc=False),
    )
    def kern(idx_hbm, table_hbm, out_hbm, idx_v, rows_v, g0, g1, g2, g3, o0, o1, o2, o3):
        gsem = (g0, g1, g2, g3)
        osem = (o0, o1, o2, o3)
        wid = lax.axis_index("s") * NC + lax.axis_index("c")
        base = wid * b_per_w
        pltpu.sync_copy(idx_hbm.at[pl.ds(base, b_per_w)], idx_v)

        def gather_desc(c, b):
            return pltpu.make_async_copy(
                table_hbm.at[idx_v.at[pl.ds(c * CHUNK, CHUNK)]],
                rows_v.at[b],
                gsem[b],
            )

        def out_desc(c, b):
            return pltpu.make_async_copy(
                rows_v.at[b],
                out_hbm.at[pl.ds(base + c * CHUNK, CHUNK), pl.ds(0, D)],
                osem[b],
            )

        for b in range(NBUF):
            gather_desc(b, b).start()

        @pl.loop(0, n_waves - 1)
        def _(p):
            c = p * NBUF
            for b in range(NBUF):
                gather_desc(c + b, b).wait()
                out_desc(c + b, b).start()
            for b in range(NBUF):
                out_desc(c + b, b).wait()
                gather_desc(c + NBUF + b, b).start()

        c_last = (n_waves - 1) * NBUF
        for b in range(NBUF):
            gather_desc(c_last + b, b).wait()
            out_desc(c_last + b, b).start()
        for b in range(NBUF):
            out_desc(c_last + b, b).wait()

    return kern(idx2, table2)


def kernel(x, weight):
    bsz, seq = x.shape
    n_vocab = weight.shape[0]
    seq_p = 56
    pad_idx = (
        jnp.arange(seq_p - seq, dtype=jnp.int32)[None, :]
        + jnp.arange(bsz, dtype=jnp.int32)[:, None] * 61
    ) % n_vocab
    xp = jnp.concatenate([x.astype(jnp.int32), pad_idx], axis=1)
    idx2 = xp.reshape(bsz * seq_p) * 2
    table2 = jnp.pad(weight, ((0, 0), (0, DP - D))).reshape(2 * n_vocab, D)
    out = _gather(idx2, table2, bsz * seq_p)
    return out.reshape(bsz, seq_p, DP)[:, :seq, :D]

# --- scband reference (transcript-rebuilt; emitter-appended) ---
"""Pipeline reference for scband-custom-embedding-6347961663736 (READ-ONLY COPY).

The authoritative reference and input builder live on the scoring server;
editing this copy changes nothing except your own understanding.
"""

import jax, jax.numpy as jnp
import numpy as np

NUM_EMBEDDINGS = 1000000
EMBEDDING_DIM = 64

def setup_inputs(seed: int = 0) -> dict:
    key = jax.random.key(seed)
    k_idx, k_w = jax.random.split(key)
    x = jax.random.randint(k_idx, (16384, 50), 0, NUM_EMBEDDINGS, dtype=jnp.int64 if jax.config.jax_enable_x64 else jnp.int32)
    weight = 0.01 * jax.random.normal(k_w, (NUM_EMBEDDINGS, EMBEDDING_DIM), dtype=jnp.float32)
    return {"x": x, "weight": weight}

def reference(x, weight):
    # Faithful translation of CustomEmbedding.forward: self.weight[x]
    return jnp.take(weight, x, axis=0)

if __name__ == "__main__":
    import jax
    _d = setup_inputs()
    print(jax.jit(kernel)(*tuple(_d.values())))

</pallas_src>

<mosaic_0001>
#map = affine_map<(d0, d1) -> (0)>
#map1 = affine_map<(d0, d1) -> (0, 0)>
module attributes {stable_mosaic.version = 14 : i64} {
  func.func @kern(%arg0: i32, %arg1: i32, %arg2: memref<917504xi32, #tpu.memory_space<hbm>>, %arg3: memref<2000000x64xf32, #tpu.memory_space<hbm>>, %arg4: memref<917504x128xf32, #tpu.memory_space<hbm>>, %arg5: memref<28672xi32, #tpu.memory_space<vmem>>, %arg6: memref<4x256x64xf32, #tpu.memory_space<vmem>>, %arg7: memref<!tpu.dma_semaphore, #tpu.memory_space<semaphore_mem>>, %arg8: memref<!tpu.dma_semaphore, #tpu.memory_space<semaphore_mem>>, %arg9: memref<!tpu.dma_semaphore, #tpu.memory_space<semaphore_mem>>, %arg10: memref<!tpu.dma_semaphore, #tpu.memory_space<semaphore_mem>>, %arg11: memref<!tpu.dma_semaphore, #tpu.memory_space<semaphore_mem>>, %arg12: memref<!tpu.dma_semaphore, #tpu.memory_space<semaphore_mem>>, %arg13: memref<!tpu.dma_semaphore, #tpu.memory_space<semaphore_mem>>, %arg14: memref<!tpu.dma_semaphore, #tpu.memory_space<semaphore_mem>>) attributes {dimension_semantics = [#tpu.dimension_semantics<core_parallel>, #tpu.dimension_semantics<subcore_parallel>], iteration_bounds = array<i64: 2, 16>, scalar_prefetch = 0 : i64, scratch_operands = 10 : i64, tpu.core_type = #tpu.core_type<sc_vector_subcore>, window_params = [{transform_indices = #map}, {transform_indices = #map1}, {transform_indices = #map1}]} {
    %mul3A = arith.constant 2 : i32
    %mul3A_0 = arith.muli %arg1, %mul3A : i32
    %add3A = arith.addi %mul3A_0, %arg0 : i32
    %mul3A_1 = arith.constant 28672 : i32
    %mul3A_2 = arith.muli %add3A, %mul3A_1 : i32
    "tpu.region"() ({
      %run_scoped3A = tpu.sem_alloc : memref<!tpu.dma_semaphore, #tpu.memory_space<semaphore_mem>>
      %dma_start3A_205 = tpu.memref_slice %arg2[%mul3A_2] : memref<917504xi32, #tpu.memory_space<hbm>> -> memref<28672xi32, #tpu.memory_space<hbm>>
      %dma_start3A_206 = tpu.memref_slice %arg2[%mul3A_2] : memref<917504xi32, #tpu.memory_space<hbm>> -> memref<28672xi32, #tpu.memory_space<hbm>>
      tpu.enqueue_dma source(%dma_start3A_206 : memref<28672xi32, #tpu.memory_space<hbm>>) target(%arg5 : memref<28672xi32, #tpu.memory_space<vmem>>) target_semaphore(%run_scoped3A : memref<!tpu.dma_semaphore, #tpu.memory_space<semaphore_mem>>)
      %dma_wait3A_207 = tpu.memref_slice %arg2[%mul3A_2] : memref<917504xi32, #tpu.memory_space<hbm>> -> memref<28672xi32, #tpu.memory_space<hbm>>
      %dma_wait3A_208 = tpu.memref_slice %arg2[%mul3A_2] : memref<917504xi32, #tpu.memory_space<hbm>> -> memref<28672xi32, #tpu.memory_space<hbm>>
      tpu.wait_dma2 semaphore(%run_scoped3A : memref<!tpu.dma_semaphore, #tpu.memory_space<semaphore_mem>>) src(%dma_wait3A_208 : memref<28672xi32, #tpu.memory_space<hbm>>) dst(%arg5 : memref<28672xi32, #tpu.memory_space<vmem>>)
      tpu.yield
    }) : () -> ()
    %dma_start3A = arith.constant 0 : i32
    %dma_start3A_3 = arith.constant 0 : i32
    %dma_start3A_4 = arith.constant 0 : i32
    %dma_start3A_5 = tpu.memref_slice %arg6[%dma_start3A, %dma_start3A_3, %dma_start3A_4] : memref<4x256x64xf32, #tpu.memory_space<vmem>> -> memref<1x256x64xf32, #tpu.memory_space<vmem>>
    %dma_start3A_6 = tpu.memref_squeeze %dma_start3A_5 : memref<1x256x64xf32, #tpu.memory_space<vmem>> -> memref<256x64xf32, #tpu.memory_space<vmem>>
    %dma_start3A_7 = arith.constant 0 : i32
    %dma_start3A_8 = tpu.memref_slice %arg5[%dma_start3A_7] : memref<28672xi32, #tpu.memory_space<vmem>> -> memref<256xi32, #tpu.memory_space<vmem>>
    %dma_start3A_9 = arith.constant 0 : i32
    %dma_start3A_10 = arith.constant 0 : i32
    %dma_start3A_11 = tpu.memref_slice %arg3[%dma_start3A_9, %dma_start3A_10] : memref<2000000x64xf32, #tpu.memory_space<hbm>> -> memref<2000000x64xf32, #tpu.memory_space<hbm>>
    tpu.enqueue_indirect_dma source(%dma_start3A_11 : memref<2000000x64xf32, #tpu.memory_space<hbm>>) target(%dma_start3A_6 : memref<256x64xf32, #tpu.memory_space<vmem>>) offsets(%dma_start3A_8 : memref<256xi32, #tpu.memory_space<vmem>>) semaphore(%arg7 : memref<!tpu.dma_semaphore, #tpu.memory_space<semaphore_mem>>)
    %dma_start3A_12 = arith.constant 1 : i32
    %dma_start3A_13 = arith.constant 0 : i32
    %dma_start3A_14 = arith.constant 0 : i32
    %dma_start3A_15 = tpu.memref_slice %arg6[%dma_start3A_12, %dma_start3A_13, %dma_start3A_14] : memref<4x256x64xf32, #tpu.memory_space<vmem>> -> memref<1x256x64xf32, #tpu.memory_space<vmem>>
    %dma_start3A_16 = tpu.memref_squeeze %dma_start3A_15 : memref<1x256x64xf32, #tpu.memory_space<vmem>> -> memref<256x64xf32, #tpu.memory_space<vmem>>
    %dma_start3A_17 = arith.constant 256 : i32
    %dma_start3A_18 = tpu.memref_slice %arg5[%dma_start3A_17] : memref<28672xi32, #tpu.memory_space<vmem>> -> memref<256xi32, #tpu.memory_space<vmem>>
    %dma_start3A_19 = arith.constant 0 : i32
    %dma_start3A_20 = arith.constant 0 : i32
    %dma_start3A_21 = tpu.memref_slice %arg3[%dma_start3A_19, %dma_start3A_20] : memref<2000000x64xf32, #tpu.memory_space<hbm>> -> memref<2000000x64xf32, #tpu.memory_space<hbm>>
    tpu.enqueue_indirect_dma source(%dma_start3A_21 : memref<2000000x64xf32, #tpu.memory_space<hbm>>) target(%dma_start3A_16 : memref<256x64xf32, #tpu.memory_space<vmem>>) offsets(%dma_start3A_18 : memref<256xi32, #tpu.memory_space<vmem>>) semaphore(%arg8 : memref<!tpu.dma_semaphore, #tpu.memory_space<semaphore_mem>>)
    %dma_start3A_22 = arith.constant 2 : i32
    %dma_start3A_23 = arith.constant 0 : i32
    %dma_start3A_24 = arith.constant 0 : i32
    %dma_start3A_25 = tpu.memref_slice %arg6[%dma_start3A_22, %dma_start3A_23, %dma_start3A_24] : memref<4x256x64xf32, #tpu.memory_space<vmem>> -> memref<1x256x64xf32, #tpu.memory_space<vmem>>
    %dma_start3A_26 = tpu.memref_squeeze %dma_start3A_25 : memref<1x256x64xf32, #tpu.memory_space<vmem>> -> memref<256x64xf32, #tpu.memory_space<vmem>>
    %dma_start3A_27 = arith.constant 512 : i32
    %dma_start3A_28 = tpu.memref_slice %arg5[%dma_start3A_27] : memref<28672xi32, #tpu.memory_space<vmem>> -> memref<256xi32, #tpu.memory_space<vmem>>
    %dma_start3A_29 = arith.constant 0 : i32
    %dma_start3A_30 = arith.constant 0 : i32
    %dma_start3A_31 = tpu.memref_slice %arg3[%dma_start3A_29, %dma_start3A_30] : memref<2000000x64xf32, #tpu.memory_space<hbm>> -> memref<2000000x64xf32, #tpu.memory_space<hbm>>
    tpu.enqueue_indirect_dma source(%dma_start3A_31 : memref<2000000x64xf32, #tpu.memory_space<hbm>>) target(%dma_start3A_26 : memref<256x64xf32, #tpu.memory_space<vmem>>) offsets(%dma_start3A_28 : memref<256xi32, #tpu.memory_space<vmem>>) semaphore(%arg9 : memref<!tpu.dma_semaphore, #tpu.memory_space<semaphore_mem>>)
    %dma_start3A_32 = arith.constant 3 : i32
    %dma_start3A_33 = arith.constant 0 : i32
    %dma_start3A_34 = arith.constant 0 : i32
    %dma_start3A_35 = tpu.memref_slice %arg6[%dma_start3A_32, %dma_start3A_33, %dma_start3A_34] : memref<4x256x64xf32, #tpu.memory_space<vmem>> -> memref<1x256x64xf32, #tpu.memory_space<vmem>>
    %dma_start3A_36 = tpu.memref_squeeze %dma_start3A_35 : memref<1x256x64xf32, #tpu.memory_space<vmem>> -> memref<256x64xf32, #tpu.memory_space<vmem>>
    %dma_start3A_37 = arith.constant 768 : i32
    %dma_start3A_38 = tpu.memref_slice %arg5[%dma_start3A_37] : memref<28672xi32, #tpu.memory_space<vmem>> -> memref<256xi32, #tpu.memory_space<vmem>>
    %dma_start3A_39 = arith.constant 0 : i32
    %dma_start3A_40 = arith.constant 0 : i32
    %dma_start3A_41 = tpu.memref_slice %arg3[%dma_start3A_39, %dma_start3A_40] : memref<2000000x64xf32, #tpu.memory_space<hbm>> -> memref<2000000x64xf32, #tpu.memory_space<hbm>>
    tpu.enqueue_indirect_dma source(%dma_start3A_41 : memref<2000000x64xf32, #tpu.memory_space<hbm>>) target(%dma_start3A_36 : memref<256x64xf32, #tpu.memory_space<vmem>>) offsets(%dma_start3A_38 : memref<256xi32, #tpu.memory_space<vmem>>) semaphore(%arg10 : memref<!tpu.dma_semaphore, #tpu.memory_space<semaphore_mem>>)
    %scan3A = arith.constant 0 : i32
    %scan3A_42 = arith.constant 27 : i32
    %scan3A_43 = arith.addi %scan3A, %scan3A_42 : i32
    %scan3A_44 = arith.constant 1 : i32
    scf.for %scan3A_205 = %scan3A to %scan3A_43 step %scan3A_44  : i32 {
      %mul3A_206 = arith.constant 1 : i32
      %mul3A_207 = arith.muli %scan3A_205, %mul3A_206 : i32
      %add3A_208 = arith.constant 0 : i32
      %add3A_209 = arith.addi %add3A_208, %mul3A_207 : i32
      %mul3A_210 = arith.constant 4 : i32
      %mul3A_211 = arith.muli %add3A_209, %mul3A_210 : i32
      %add3A_212 = arith.constant 0 : i32
      %add3A_213 = arith.addi %mul3A_211, %add3A_212 : i32
      %mul3A_214 = arith.constant 256 : i32
      %mul3A_215 = arith.muli %add3A_213, %mul3A_214 : i32
      %dma_wait3A_216 = arith.constant 0 : i32
      %dma_wait3A_217 = arith.constant 0 : i32
      %dma_wait3A_218 = arith.constant 0 : i32
      %dma_wait3A_219 = tpu.memref_slice %arg6[%dma_wait3A_216, %dma_wait3A_217, %dma_wait3A_218] : memref<4x256x64xf32, #tpu.memory_space<vmem>> -> memref<1x256x64xf32, #tpu.memory_space<vmem>>
      %dma_wait3A_220 = tpu.memref_squeeze %dma_wait3A_219 : memref<1x256x64xf32, #tpu.memory_space<vmem>> -> memref<256x64xf32, #tpu.memory_space<vmem>>
      %dma_wait3A_221 = tpu.memref_slice %arg5[%mul3A_215] : memref<28672xi32, #tpu.memory_space<vmem>> -> memref<256xi32, #tpu.memory_space<vmem>>
      %dma_wait3A_222 = arith.constant 0 : i32
      %dma_wait3A_223 = arith.constant 0 : i32
      %dma_wait3A_224 = tpu.memref_slice %arg3[%dma_wait3A_222, %dma_wait3A_223] : memref<2000000x64xf32, #tpu.memory_space<hbm>> -> memref<2000000x64xf32, #tpu.memory_space<hbm>>
      tpu.wait_indirect_dma semaphore(%arg7 : memref<!tpu.dma_semaphore, #tpu.memory_space<semaphore_mem>>) src(%dma_wait3A_224 : memref<2000000x64xf32, #tpu.memory_space<hbm>>) dst(%dma_wait3A_220 : memref<256x64xf32, #tpu.memory_space<vmem>>)
      %add3A_225 = arith.constant 0 : i32
      %add3A_226 = arith.addi %mul3A_211, %add3A_225 : i32
      %mul3A_227 = arith.constant 256 : i32
      %mul3A_228 = arith.muli %add3A_226, %mul3A_227 : i32
      %add3A_229 = arith.addi %mul3A_2, %mul3A_228 : i32
      %dma_start3A_230 = arith.constant 0 : i32
      %dma_start3A_231 = arith.constant 0 : i32
      %dma_start3A_232 = arith.constant 0 : i32
      %dma_start3A_233 = tpu.memref_slice %arg6[%dma_start3A_230, %dma_start3A_231, %dma_start3A_232] : memref<4x256x64xf32, #tpu.memory_space<vmem>> -> memref<1x256x64xf32, #tpu.memory_space<vmem>>
      %dma_start3A_234 = tpu.memref_squeeze %dma_start3A_233 : memref<1x256x64xf32, #tpu.memory_space<vmem>> -> memref<256x64xf32, #tpu.memory_space<vmem>>
      %dma_start3A_235 = arith.constant 0 : i32
      %dma_start3A_236 = tpu.memref_slice %arg4[%add3A_229, %dma_start3A_235] : memref<917504x128xf32, #tpu.memory_space<hbm>> -> memref<256x64xf32, #tpu.memory_space<hbm>>
      %dma_start3A_237 = arith.constant 0 : i32
      %dma_start3A_238 = tpu.memref_slice %arg4[%add3A_229, %dma_start3A_237] : memref<917504x128xf32, #tpu.memory_space<hbm>> -> memref<256x64xf32, #tpu.memory_space<hbm>>
      %dma_start3A_239 = arith.constant 0 : i32
      %dma_start3A_240 = arith.constant 0 : i32
      %dma_start3A_241 = tpu.memref_slice %arg6[%dma_start3A_230, %dma_start3A_239, %dma_start3A_240] : memref<4x256x64xf32, #tpu.memory_space<vmem>> -> memref<1x256x64xf32, #tpu.memory_space<vmem>>
      %dma_start3A_242 = tpu.memref_squeeze %dma_start3A_241 : memref<1x256x64xf32, #tpu.memory_space<vmem>> -> memref<256x64xf32, #tpu.memory_space<vmem>>
      tpu.enqueue_dma source(%dma_start3A_242 : memref<256x64xf32, #tpu.memory_space<vmem>>) target(%dma_start3A_238 : memref<256x64xf32, #tpu.memory_space<hbm>>) target_semaphore(%arg11 : memref<!tpu.dma_semaphore, #tpu.memory_space<semaphore_mem>>)
      %add3A_243 = arith.constant 1 : i32
      %add3A_244 = arith.addi %mul3A_211, %add3A_243 : i32
      %mul3A_245 = arith.constant 256 : i32
      %mul3A_246 = arith.muli %add3A_244, %mul3A_245 : i32
      %dma_wait3A_247 = arith.constant 1 : i32
      %dma_wait3A_248 = arith.constant 0 : i32
      %dma_wait3A_249 = arith.constant 0 : i32
      %dma_wait3A_250 = tpu.memref_slice %arg6[%dma_wait3A_247, %dma_wait3A_248, %dma_wait3A_249] : memref<4x256x64xf32, #tpu.memory_space<vmem>> -> memref<1x256x64xf32, #tpu.memory_space<vmem>>
      %dma_wait3A_251 = tpu.memref_squeeze %dma_wait3A_250 : memref<1x256x64xf32, #tpu.memory_space<vmem>> -> memref<256x64xf32, #tpu.memory_space<vmem>>
      %dma_wait3A_252 = tpu.memref_slice %arg5[%mul3A_246] : memref<28672xi32, #tpu.memory_space<vmem>> -> memref<256xi32, #tpu.memory_space<vmem>>
      %dma_wait3A_253 = arith.constant 0 : i32
      %dma_wait3A_254 = arith.constant 0 : i32
      %dma_wait3A_255 = tpu.memref_slice %arg3[%dma_wait3A_253, %dma_wait3A_254] : memref<2000000x64xf32, #tpu.memory_space<hbm>> -> memref<2000000x64xf32, #tpu.memory_space<hbm>>
      tpu.wait_indirect_dma semaphore(%arg8 : memref<!tpu.dma_semaphore, #tpu.memory_space<semaphore_mem>>) src(%dma_wait3A_255 : memref<2000000x64xf32, #tpu.memory_space<hbm>>) dst(%dma_wait3A_251 : memref<256x64xf32, #tpu.memory_space<vmem>>)
      %add3A_256 = arith.constant 1 : i32
      %add3A_257 = arith.addi %mul3A_211, %add3A_256 : i32
      %mul3A_258 = arith.constant 256 : i32
      %mul3A_259 = arith.muli %add3A_257, %mul3A_258 : i32
      %add3A_260 = arith.addi %mul3A_2, %mul3A_259 : i32
      %dma_start3A_261 = arith.constant 1 : i32
      %dma_start3A_262 = arith.constant 0 : i32
      %dma_start3A_263 = arith.constant 0 : i32
      %dma_start3A_264 = tpu.memref_slice %arg6[%dma_start3A_261, %dma_start3A_262, %dma_start3A_263] : memref<4x256x64xf32, #tpu.memory_space<vmem>> -> memref<1x256x64xf32, #tpu.memory_space<vmem>>
      %dma_start3A_265 = tpu.memref_squeeze %dma_start3A_264 : memref<1x256x64xf32, #tpu.memory_space<vmem>> -> memref<256x64xf32, #tpu.memory_space<vmem>>
      %dma_start3A_266 = arith.constant 0 : i32
      %dma_start3A_267 = tpu.memref_slice %arg4[%add3A_260, %dma_start3A_266] : memref<917504x128xf32, #tpu.memory_space<hbm>> -> memref<256x64xf32, #tpu.memory_space<hbm>>
      %dma_start3A_268 = arith.constant 0 : i32
      %dma_start3A_269 = tpu.memref_slice %arg4[%add3A_260, %dma_start3A_268] : memref<917504x128xf32, #tpu.memory_space<hbm>> -> memref<256x64xf32, #tpu.memory_space<hbm>>
      %dma_start3A_270 = arith.constant 0 : i32
      %dma_start3A_271 = arith.constant 0 : i32
      %dma_start3A_272 = tpu.memref_slice %arg6[%dma_start3A_261, %dma_start3A_270, %dma_start3A_271] : memref<4x256x64xf32, #tpu.memory_space<vmem>> -> memref<1x256x64xf32, #tpu.memory_space<vmem>>
      %dma_start3A_273 = tpu.memref_squeeze %dma_start3A_272 : memref<1x256x64xf32, #tpu.memory_space<vmem>> -> memref<256x64xf32, #tpu.memory_space<vmem>>
      tpu.enqueue_dma source(%dma_start3A_273 : memref<256x64xf32, #tpu.memory_space<vmem>>) target(%dma_start3A_269 : memref<256x64xf32, #tpu.memory_space<hbm>>) target_semaphore(%arg12 : memref<!tpu.dma_semaphore, #tpu.memory_space<semaphore_mem>>)
      %add3A_274 = arith.constant 2 : i32
      %add3A_275 = arith.addi %mul3A_211, %add3A_274 : i32
      %mul3A_276 = arith.constant 256 : i32
      %mul3A_277 = arith.muli %add3A_275, %mul3A_276 : i32
      %dma_wait3A_278 = arith.constant 2 : i32
      %dma_wait3A_279 = arith.constant 0 : i32
      %dma_wait3A_280 = arith.constant 0 : i32
      %dma_wait3A_281 = tpu.memref_slice %arg6[%dma_wait3A_278, %dma_wait3A_279, %dma_wait3A_280] : memref<4x256x64xf32, #tpu.memory_space<vmem>> -> memref<1x256x64xf32, #tpu.memory_space<vmem>>
      %dma_wait3A_282 = tpu.memref_squeeze %dma_wait3A_281 : memref<1x256x64xf32, #tpu.memory_space<vmem>> -> memref<256x64xf32, #tpu.memory_space<vmem>>
      %dma_wait3A_283 = tpu.memref_slice %arg5[%mul3A_277] : memref<28672xi32, #tpu.memory_space<vmem>> -> memref<256xi32, #tpu.memory_space<vmem>>
      %dma_wait3A_284 = arith.constant 0 : i32
      %dma_wait3A_285 = arith.constant 0 : i32
      %dma_wait3A_286 = tpu.memref_slice %arg3[%dma_wait3A_284, %dma_wait3A_285] : memref<2000000x64xf32, #tpu.memory_space<hbm>> -> memref<2000000x64xf32, #tpu.memory_space<hbm>>
      tpu.wait_indirect_dma semaphore(%arg9 : memref<!tpu.dma_semaphore, #tpu.memory_space<semaphore_mem>>) src(%dma_wait3A_286 : memref<2000000x64xf32, #tpu.memory_space<hbm>>) dst(%dma_wait3A_282 : memref<256x64xf32, #tpu.memory_space<vmem>>)
      %add3A_287 = arith.constant 2 : i32
      %add3A_288 = arith.addi %mul3A_211, %add3A_287 : i32
      %mul3A_289 = arith.constant 256 : i32
      %mul3A_290 = arith.muli %add3A_288, %mul3A_289 : i32
      %add3A_291 = arith.addi %mul3A_2, %mul3A_290 : i32
      %dma_start3A_292 = arith.constant 2 : i32
      %dma_start3A_293 = arith.constant 0 : i32
      %dma_start3A_294 = arith.constant 0 : i32
      %dma_start3A_295 = tpu.memref_slice %arg6[%dma_start3A_292, %dma_start3A_293, %dma_start3A_294] : memref<4x256x64xf32, #tpu.memory_space<vmem>> -> memref<1x256x64xf32, #tpu.memory_space<vmem>>
      %dma_start3A_296 = tpu.memref_squeeze %dma_start3A_295 : memref<1x256x64xf32, #tpu.memory_space<vmem>> -> memref<256x64xf32, #tpu.memory_space<vmem>>
      %dma_start3A_297 = arith.constant 0 : i32
      %dma_start3A_298 = tpu.memref_slice %arg4[%add3A_291, %dma_start3A_297] : memref<917504x128xf32, #tpu.memory_space<hbm>> -> memref<256x64xf32, #tpu.memory_space<hbm>>
      %dma_start3A_299 = arith.constant 0 : i32
      %dma_start3A_300 = tpu.memref_slice %arg4[%add3A_291, %dma_start3A_299] : memref<917504x128xf32, #tpu.memory_space<hbm>> -> memref<256x64xf32, #tpu.memory_space<hbm>>
      %dma_start3A_301 = arith.constant 0 : i32
      %dma_start3A_302 = arith.constant 0 : i32
      %dma_start3A_303 = tpu.memref_slice %arg6[%dma_start3A_292, %dma_start3A_301, %dma_start3A_302] : memref<4x256x64xf32, #tpu.memory_space<vmem>> -> memref<1x256x64xf32, #tpu.memory_space<vmem>>
      %dma_start3A_304 = tpu.memref_squeeze %dma_start3A_303 : memref<1x256x64xf32, #tpu.memory_space<vmem>> -> memref<256x64xf32, #tpu.memory_space<vmem>>
      tpu.enqueue_dma source(%dma_start3A_304 : memref<256x64xf32, #tpu.memory_space<vmem>>) target(%dma_start3A_300 : memref<256x64xf32, #tpu.memory_space<hbm>>) target_semaphore(%arg13 : memref<!tpu.dma_semaphore, #tpu.memory_space<semaphore_mem>>)
      %add3A_305 = arith.constant 3 : i32
      %add3A_306 = arith.addi %mul3A_211, %add3A_305 : i32
      %mul3A_307 = arith.constant 256 : i32
      %mul3A_308 = arith.muli %add3A_306, %mul3A_307 : i32
      %dma_wait3A_309 = arith.constant 3 : i32
      %dma_wait3A_310 = arith.constant 0 : i32
      %dma_wait3A_311 = arith.constant 0 : i32
      %dma_wait3A_312 = tpu.memref_slice %arg6[%dma_wait3A_309, %dma_wait3A_310, %dma_wait3A_311] : memref<4x256x64xf32, #tpu.memory_space<vmem>> -> memref<1x256x64xf32, #tpu.memory_space<vmem>>
      %dma_wait3A_313 = tpu.memref_squeeze %dma_wait3A_312 : memref<1x256x64xf32, #tpu.memory_space<vmem>> -> memref<256x64xf32, #tpu.memory_space<vmem>>
      %dma_wait3A_314 = tpu.memref_slice %arg5[%mul3A_308] : memref<28672xi32, #tpu.memory_space<vmem>> -> memref<256xi32, #tpu.memory_space<vmem>>
      %dma_wait3A_315 = arith.constant 0 : i32
      %dma_wait3A_316 = arith.constant 0 : i32
      %dma_wait3A_317 = tpu.memref_slice %arg3[%dma_wait3A_315, %dma_wait3A_316] : memref<2000000x64xf32, #tpu.memory_space<hbm>> -> memref<2000000x64xf32, #tpu.memory_space<hbm>>
      tpu.wait_indirect_dma semaphore(%arg10 : memref<!tpu.dma_semaphore, #tpu.memory_space<semaphore_mem>>) src(%dma_wait3A_317 : memref<2000000x64xf32, #tpu.memory_space<hbm>>) dst(%dma_wait3A_313 : memref<256x64xf32, #tpu.memory_space<vmem>>)
      %add3A_318 = arith.constant 3 : i32
      %add3A_319 = arith.addi %mul3A_211, %add3A_318 : i32
      %mul3A_320 = arith.constant 256 : i32
      %mul3A_321 = arith.muli %add3A_319, %mul3A_320 : i32
      %add3A_322 = arith.addi %mul3A_2, %mul3A_321 : i32
      %dma_start3A_323 = arith.constant 3 : i32
      %dma_start3A_324 = arith.constant 0 : i32
      %dma_start3A_325 = arith.constant 0 : i32
      %dma_start3A_326 = tpu.memref_slice %arg6[%dma_start3A_323, %dma_start3A_324, %dma_start3A_325] : memref<4x256x64xf32, #tpu.memory_space<vmem>> -> memref<1x256x64xf32, #tpu.memory_space<vmem>>
      %dma_start3A_327 = tpu.memref_squeeze %dma_start3A_326 : memref<1x256x64xf32, #tpu.memory_space<vmem>> -> memref<256x64xf32, #tpu.memory_space<vmem>>
      %dma_start3A_328 = arith.constant 0 : i32
      %dma_start3A_329 = tpu.memref_slice %arg4[%add3A_322, %dma_start3A_328] : memref<917504x128xf32, #tpu.memory_space<hbm>> -> memref<256x64xf32, #tpu.memory_space<hbm>>
      %dma_start3A_330 = arith.constant 0 : i32
      %dma_start3A_331 = tpu.memref_slice %arg4[%add3A_322, %dma_start3A_330] : memref<917504x128xf32, #tpu.memory_space<hbm>> -> memref<256x64xf32, #tpu.memory_space<hbm>>
      %dma_start3A_332 = arith.constant 0 : i32
      %dma_start3A_333 = arith.constant 0 : i32
      %dma_start3A_334 = tpu.memref_slice %arg6[%dma_start3A_323, %dma_start3A_332, %dma_start3A_333] : memref<4x256x64xf32, #tpu.memory_space<vmem>> -> memref<1x256x64xf32, #tpu.memory_space<vmem>>
      %dma_start3A_335 = tpu.memref_squeeze %dma_start3A_334 : memref<1x256x64xf32, #tpu.memory_space<vmem>> -> memref<256x64xf32, #tpu.memory_space<vmem>>
      tpu.enqueue_dma source(%dma_start3A_335 : memref<256x64xf32, #tpu.memory_space<vmem>>) target(%dma_start3A_331 : memref<256x64xf32, #tpu.memory_space<hbm>>) target_semaphore(%arg14 : memref<!tpu.dma_semaphore, #tpu.memory_space<semaphore_mem>>)
      %add3A_336 = arith.constant 0 : i32
      %add3A_337 = arith.addi %mul3A_211, %add3A_336 : i32
      %mul3A_338 = arith.constant 256 : i32
      %mul3A_339 = arith.muli %add3A_337, %mul3A_338 : i32
      %add3A_340 = arith.addi %mul3A_2, %mul3A_339 : i32
      %dma_wait3A_341 = arith.constant 0 : i32
      %dma_wait3A_342 = arith.constant 0 : i32
      %dma_wait3A_343 = arith.constant 0 : i32
      %dma_wait3A_344 = tpu.memref_slice %arg6[%dma_wait3A_341, %dma_wait3A_342, %dma_wait3A_343] : memref<4x256x64xf32, #tpu.memory_space<vmem>> -> memref<1x256x64xf32, #tpu.memory_space<vmem>>
      %dma_wait3A_345 = tpu.memref_squeeze %dma_wait3A_344 : memref<1x256x64xf32, #tpu.memory_space<vmem>> -> memref<256x64xf32, #tpu.memory_space<vmem>>
      %dma_wait3A_346 = arith.constant 0 : i32
      %dma_wait3A_347 = tpu.memref_slice %arg4[%add3A_340, %dma_wait3A_346] : memref<917504x128xf32, #tpu.memory_space<hbm>> -> memref<256x64xf32, #tpu.memory_space<hbm>>
      %dma_wait3A_348 = arith.constant 0 : i32
      %dma_wait3A_349 = tpu.memref_slice %arg4[%add3A_340, %dma_wait3A_348] : memref<917504x128xf32, #tpu.memory_space<hbm>> -> memref<256x64xf32, #tpu.memory_space<hbm>>
      %dma_wait3A_350 = arith.constant 0 : i32
      %dma_wait3A_351 = arith.constant 0 : i32
      %dma_wait3A_352 = tpu.memref_slice %arg6[%dma_wait3A_341, %dma_wait3A_350, %dma_wait3A_351] : memref<4x256x64xf32, #tpu.memory_space<vmem>> -> memref<1x256x64xf32, #tpu.memory_space<vmem>>
      %dma_wait3A_353 = tpu.memref_squeeze %dma_wait3A_352 : memref<1x256x64xf32, #tpu.memory_space<vmem>> -> memref<256x64xf32, #tpu.memory_space<vmem>>
      tpu.wait_dma2 semaphore(%arg11 : memref<!tpu.dma_semaphore, #tpu.memory_space<semaphore_mem>>) src(%dma_wait3A_353 : memref<256x64xf32, #tpu.memory_space<vmem>>) dst(%dma_wait3A_349 : memref<256x64xf32, #tpu.memory_space<hbm>>)
      %add3A_354 = arith.constant 4 : i32
      %add3A_355 = arith.addi %mul3A_211, %add3A_354 : i32
      %add3A_356 = arith.constant 0 : i32
      %add3A_357 = arith.addi %add3A_355, %add3A_356 : i32
      %mul3A_358 = arith.constant 256 : i32
      %mul3A_359 = arith.muli %add3A_357, %mul3A_358 : i32
      %dma_start3A_360 = arith.constant 0 : i32
      %dma_start3A_361 = arith.constant 0 : i32
      %dma_start3A_362 = arith.constant 0 : i32
      %dma_start3A_363 = tpu.memref_slice %arg6[%dma_start3A_360, %dma_start3A_361, %dma_start3A_362] : memref<4x256x64xf32, #tpu.memory_space<vmem>> -> memref<1x256x64xf32, #tpu.memory_space<vmem>>
      %dma_start3A_364 = tpu.memref_squeeze %dma_start3A_363 : memref<1x256x64xf32, #tpu.memory_space<vmem>> -> memref<256x64xf32, #tpu.memory_space<vmem>>
      %dma_start3A_365 = tpu.memref_slice %arg5[%mul3A_359] : memref<28672xi32, #tpu.memory_space<vmem>> -> memref<256xi32, #tpu.memory_space<vmem>>
      %dma_start3A_366 = arith.constant 0 : i32
      %dma_start3A_367 = arith.constant 0 : i32
      %dma_start3A_368 = tpu.memref_slice %arg3[%dma_start3A_366, %dma_start3A_367] : memref<2000000x64xf32, #tpu.memory_space<hbm>> -> memref<2000000x64xf32, #tpu.memory_space<hbm>>
      tpu.enqueue_indirect_dma source(%dma_start3A_368 : memref<2000000x64xf32, #tpu.memory_space<hbm>>) target(%dma_start3A_364 : memref<256x64xf32, #tpu.memory_space<vmem>>) offsets(%dma_start3A_365 : memref<256xi32, #tpu.memory_space<vmem>>) semaphore(%arg7 : memref<!tpu.dma_semaphore, #tpu.memory_space<semaphore_mem>>)
      %add3A_369 = arith.constant 1 : i32
      %add3A_370 = arith.addi %mul3A_211, %add3A_369 : i32
      %mul3A_371 = arith.constant 256 : i32
      %mul3A_372 = arith.muli %add3A_370, %mul3A_371 : i32
      %add3A_373 = arith.addi %mul3A_2, %mul3A_372 : i32
      %dma_wait3A_374 = arith.constant 1 : i32
      %dma_wait3A_375 = arith.constant 0 : i32
      %dma_wait3A_376 = arith.constant 0 : i32
      %dma_wait3A_377 = tpu.memref_slice %arg6[%dma_wait3A_374, %dma_wait3A_375, %dma_wait3A_376] : memref<4x256x64xf32, #tpu.memory_space<vmem>> -> memref<1x256x64xf32, #tpu.memory_space<vmem>>
      %dma_wait3A_378 = tpu.memref_squeeze %dma_wait3A_377 : memref<1x256x64xf32, #tpu.memory_space<vmem>> -> memref<256x64xf32, #tpu.memory_space<vmem>>
      %dma_wait3A_379 = arith.constant 0 : i32
      %dma_wait3A_380 = tpu.memref_slice %arg4[%add3A_373, %dma_wait3A_379] : memref<917504x128xf32, #tpu.memory_space<hbm>> -> memref<256x64xf32, #tpu.memory_space<hbm>>
      %dma_wait3A_381 = arith.constant 0 : i32
      %dma_wait3A_382 = tpu.memref_slice %arg4[%add3A_373, %dma_wait3A_381] : memref<917504x128xf32, #tpu.memory_space<hbm>> -> memref<256x64xf32, #tpu.memory_space<hbm>>
      %dma_wait3A_383 = arith.constant 0 : i32
      %dma_wait3A_384 = arith.constant 0 : i32
      %dma_wait3A_385 = tpu.memref_slice %arg6[%dma_wait3A_374, %dma_wait3A_383, %dma_wait3A_384] : memref<4x256x64xf32, #tpu.memory_space<vmem>> -> memref<1x256x64xf32, #tpu.memory_space<vmem>>
      %dma_wait3A_386 = tpu.memref_squeeze %dma_wait3A_385 : memref<1x256x64xf32, #tpu.memory_space<vmem>> -> memref<256x64xf32, #tpu.memory_space<vmem>>
      tpu.wait_dma2 semaphore(%arg12 : memref<!tpu.dma_semaphore, #tpu.memory_space<semaphore_mem>>) src(%dma_wait3A_386 : memref<256x64xf32, #tpu.memory_space<vmem>>) dst(%dma_wait3A_382 : memref<256x64xf32, #tpu.memory_space<hbm>>)
      %add3A_387 = arith.constant 4 : i32
      %add3A_388 = arith.addi %mul3A_211, %add3A_387 : i32
      %add3A_389 = arith.constant 1 : i32
      %add3A_390 = arith.addi %add3A_388, %add3A_389 : i32
      %mul3A_391 = arith.constant 256 : i32
      %mul3A_392 = arith.muli %add3A_390, %mul3A_391 : i32
      %dma_start3A_393 = arith.constant 1 : i32
      %dma_start3A_394 = arith.constant 0 : i32
      %dma_start3A_395 = arith.constant 0 : i32
      %dma_start3A_396 = tpu.memref_slice %arg6[%dma_start3A_393, %dma_start3A_394, %dma_start3A_395] : memref<4x256x64xf32, #tpu.memory_space<vmem>> -> memref<1x256x64xf32, #tpu.memory_space<vmem>>
      %dma_start3A_397 = tpu.memref_squeeze %dma_start3A_396 : memref<1x256x64xf32, #tpu.memory_space<vmem>> -> memref<256x64xf32, #tpu.memory_space<vmem>>
      %dma_start3A_398 = tpu.memref_slice %arg5[%mul3A_392] : memref<28672xi32, #tpu.memory_space<vmem>> -> memref<256xi32, #tpu.memory_space<vmem>>
      %dma_start3A_399 = arith.constant 0 : i32
      %dma_start3A_400 = arith.constant 0 : i32
      %dma_start3A_401 = tpu.memref_slice %arg3[%dma_start3A_399, %dma_start3A_400] : memref<2000000x64xf32, #tpu.memory_space<hbm>> -> memref<2000000x64xf32, #tpu.memory_space<hbm>>
      tpu.enqueue_indirect_dma source(%dma_start3A_401 : memref<2000000x64xf32, #tpu.memory_space<hbm>>) target(%dma_start3A_397 : memref<256x64xf32, #tpu.memory_space<vmem>>) offsets(%dma_start3A_398 : memref<256xi32, #tpu.memory_space<vmem>>) semaphore(%arg8 : memref<!tpu.dma_semaphore, #tpu.memory_space<semaphore_mem>>)
      %add3A_402 = arith.constant 2 : i32
      %add3A_403 = arith.addi %mul3A_211, %add3A_402 : i32
      %mul3A_404 = arith.constant 256 : i32
      %mul3A_405 = arith.muli %add3A_403, %mul3A_404 : i32
      %add3A_406 = arith.addi %mul3A_2, %mul3A_405 : i32
      %dma_wait3A_407 = arith.constant 2 : i32
      %dma_wait3A_408 = arith.constant 0 : i32
      %dma_wait3A_409 = arith.constant 0 : i32
      %dma_wait3A_410 = tpu.memref_slice %arg6[%dma_wait3A_407, %dma_wait3A_408, %dma_wait3A_409] : memref<4x256x64xf32, #tpu.memory_space<vmem>> -> memref<1x256x64xf32, #tpu.memory_space<vmem>>
      %dma_wait3A_411 = tpu.memref_squeeze %dma_wait3A_410 : memref<1x256x64xf32, #tpu.memory_space<vmem>> -> memref<256x64xf32, #tpu.memory_space<vmem>>
      %dma_wait3A_412 = arith.constant 0 : i32
      %dma_wait3A_413 = tpu.memref_slice %arg4[%add3A_406, %dma_wait3A_412] : memref<917504x128xf32, #tpu.memory_space<hbm>> -> memref<256x64xf32, #tpu.memory_space<hbm>>
      %dma_wait3A_414 = arith.constant 0 : i32
      %dma_wait3A_415 = tpu.memref_slice %arg4[%add3A_406, %dma_wait3A_414] : memref<917504x128xf32, #tpu.memory_space<hbm>> -> memref<256x64xf32, #tpu.memory_space<hbm>>
      %dma_wait3A_416 = arith.constant 0 : i32
      %dma_wait3A_417 = arith.constant 0 : i32
      %dma_wait3A_418 = tpu.memref_slice %arg6[%dma_wait3A_407, %dma_wait3A_416, %dma_wait3A_417] : memref<4x256x64xf32, #tpu.memory_space<vmem>> -> memref<1x256x64xf32, #tpu.memory_space<vmem>>
      %dma_wait3A_419 = tpu.memref_squeeze %dma_wait3A_418 : memref<1x256x64xf32, #tpu.memory_space<vmem>> -> memref<256x64xf32, #tpu.memory_space<vmem>>
      tpu.wait_dma2 semaphore(%arg13 : memref<!tpu.dma_semaphore, #tpu.memory_space<semaphore_mem>>) src(%dma_wait3A_419 : memref<256x64xf32, #tpu.memory_space<vmem>>) dst(%dma_wait3A_415 : memref<256x64xf32, #tpu.memory_space<hbm>>)
      %add3A_420 = arith.constant 4 : i32
      %add3A_421 = arith.addi %mul3A_211, %add3A_420 : i32
      %add3A_422 = arith.constant 2 : i32
      %add3A_423 = arith.addi %add3A_421, %add3A_422 : i32
      %mul3A_424 = arith.constant 256 : i32
      %mul3A_425 = arith.muli %add3A_423, %mul3A_424 : i32
      %dma_start3A_426 = arith.constant 2 : i32
      %dma_start3A_427 = arith.constant 0 : i32
      %dma_start3A_428 = arith.constant 0 : i32
      %dma_start3A_429 = tpu.memref_slice %arg6[%dma_start3A_426, %dma_start3A_427, %dma_start3A_428] : memref<4x256x64xf32, #tpu.memory_space<vmem>> -> memref<1x256x64xf32, #tpu.memory_space<vmem>>
      %dma_start3A_430 = tpu.memref_squeeze %dma_start3A_429 : memref<1x256x64xf32, #tpu.memory_space<vmem>> -> memref<256x64xf32, #tpu.memory_space<vmem>>
      %dma_start3A_431 = tpu.memref_slice %arg5[%mul3A_425] : memref<28672xi32, #tpu.memory_space<vmem>> -> memref<256xi32, #tpu.memory_space<vmem>>
      %dma_start3A_432 = arith.constant 0 : i32
      %dma_start3A_433 = arith.constant 0 : i32
      %dma_start3A_434 = tpu.memref_slice %arg3[%dma_start3A_432, %dma_start3A_433] : memref<2000000x64xf32, #tpu.memory_space<hbm>> -> memref<2000000x64xf32, #tpu.memory_space<hbm>>
      tpu.enqueue_indirect_dma source(%dma_start3A_434 : memref<2000000x64xf32, #tpu.memory_space<hbm>>) target(%dma_start3A_430 : memref<256x64xf32, #tpu.memory_space<vmem>>) offsets(%dma_start3A_431 : memref<256xi32, #tpu.memory_space<vmem>>) semaphore(%arg9 : memref<!tpu.dma_semaphore, #tpu.memory_space<semaphore_mem>>)
      %add3A_435 = arith.constant 3 : i32
      %add3A_436 = arith.addi %mul3A_211, %add3A_435 : i32
      %mul3A_437 = arith.constant 256 : i32
      %mul3A_438 = arith.muli %add3A_436, %mul3A_437 : i32
      %add3A_439 = arith.addi %mul3A_2, %mul3A_438 : i32
      %dma_wait3A_440 = arith.constant 3 : i32
      %dma_wait3A_441 = arith.constant 0 : i32
      %dma_wait3A_442 = arith.constant 0 : i32
      %dma_wait3A_443 = tpu.memref_slice %arg6[%dma_wait3A_440, %dma_wait3A_441, %dma_wait3A_442] : memref<4x256x64xf32, #tpu.memory_space<vmem>> -> memref<1x256x64xf32, #tpu.memory_space<vmem>>
      %dma_wait3A_444 = tpu.memref_squeeze %dma_wait3A_443 : memref<1x256x64xf32, #tpu.memory_space<vmem>> -> memref<256x64xf32, #tpu.memory_space<vmem>>
      %dma_wait3A_445 = arith.constant 0 : i32
      %dma_wait3A_446 = tpu.memref_slice %arg4[%add3A_439, %dma_wait3A_445] : memref<917504x128xf32, #tpu.memory_space<hbm>> -> memref<256x64xf32, #tpu.memory_space<hbm>>
      %dma_wait3A_447 = arith.constant 0 : i32
      %dma_wait3A_448 = tpu.memref_slice %arg4[%add3A_439, %dma_wait3A_447] : memref<917504x128xf32, #tpu.memory_space<hbm>> -> memref<256x64xf32, #tpu.memory_space<hbm>>
      %dma_wait3A_449 = arith.constant 0 : i32
      %dma_wait3A_450 = arith.constant 0 : i32
      %dma_wait3A_451 = tpu.memref_slice %arg6[%dma_wait3A_440, %dma_wait3A_449, %dma_wait3A_450] : memref<4x256x64xf32, #tpu.memory_space<vmem>> -> memref<1x256x64xf32, #tpu.memory_space<vmem>>
      %dma_wait3A_452 = tpu.memref_squeeze %dma_wait3A_451 : memref<1x256x64xf32, #tpu.memory_space<vmem>> -> memref<256x64xf32, #tpu.memory_space<vmem>>
      tpu.wait_dma2 semaphore(%arg14 : memref<!tpu.dma_semaphore, #tpu.memory_space<semaphore_mem>>) src(%dma_wait3A_452 : memref<256x64xf32, #tpu.memory_space<vmem>>) dst(%dma_wait3A_448 : memref<256x64xf32, #tpu.memory_space<hbm>>)
      %add3A_453 = arith.constant 4 : i32
      %add3A_454 = arith.addi %mul3A_211, %add3A_453 : i32
      %add3A_455 = arith.constant 3 : i32
      %add3A_456 = arith.addi %add3A_454, %add3A_455 : i32
      %mul3A_457 = arith.constant 256 : i32
      %mul3A_458 = arith.muli %add3A_456, %mul3A_457 : i32
      %dma_start3A_459 = arith.constant 3 : i32
      %dma_start3A_460 = arith.constant 0 : i32
      %dma_start3A_461 = arith.constant 0 : i32
      %dma_start3A_462 = tpu.memref_slice %arg6[%dma_start3A_459, %dma_start3A_460, %dma_start3A_461] : memref<4x256x64xf32, #tpu.memory_space<vmem>> -> memref<1x256x64xf32, #tpu.memory_space<vmem>>
      %dma_start3A_463 = tpu.memref_squeeze %dma_start3A_462 : memref<1x256x64xf32, #tpu.memory_space<vmem>> -> memref<256x64xf32, #tpu.memory_space<vmem>>
      %dma_start3A_464 = tpu.memref_slice %arg5[%mul3A_458] : memref<28672xi32, #tpu.memory_space<vmem>> -> memref<256xi32, #tpu.memory_space<vmem>>
      %dma_start3A_465 = arith.constant 0 : i32
      %dma_start3A_466 = arith.constant 0 : i32
      %dma_start3A_467 = tpu.memref_slice %arg3[%dma_start3A_465, %dma_start3A_466] : memref<2000000x64xf32, #tpu.memory_space<hbm>> -> memref<2000000x64xf32, #tpu.memory_space<hbm>>
      tpu.enqueue_indirect_dma source(%dma_start3A_467 : memref<2000000x64xf32, #tpu.memory_space<hbm>>) target(%dma_start3A_463 : memref<256x64xf32, #tpu.memory_space<vmem>>) offsets(%dma_start3A_464 : memref<256xi32, #tpu.memory_space<vmem>>) semaphore(%arg10 : memref<!tpu.dma_semaphore, #tpu.memory_space<semaphore_mem>>)
    }
    %scan3A_45 = arith.constant 27 : i32
    %dma_wait3A = arith.constant 0 : i32
    %dma_wait3A_46 = arith.constant 0 : i32
    %dma_wait3A_47 = arith.constant 0 : i32
    %dma_wait3A_48 = tpu.memref_slice %arg6[%dma_wait3A, %dma_wait3A_46, %dma_wait3A_47] : memref<4x256x64xf32, #tpu.memory_space<vmem>> -> memref<1x256x64xf32, #tpu.memory_space<vmem>>
    %dma_wait3A_49 = tpu.memref_squeeze %dma_wait3A_48 : memref<1x256x64xf32, #tpu.memory_space<vmem>> -> memref<256x64xf32, #tpu.memory_space<vmem>>
    %dma_wait3A_50 = arith.constant 27648 : i32
    %dma_wait3A_51 = tpu.memref_slice %arg5[%dma_wait3A_50] : memref<28672xi32, #tpu.memory_space<vmem>> -> memref<256xi32, #tpu.memory_space<vmem>>
    %dma_wait3A_52 = arith.constant 0 : i32
    %dma_wait3A_53 = arith.constant 0 : i32
    %dma_wait3A_54 = tpu.memref_slice %arg3[%dma_wait3A_52, %dma_wait3A_53] : memref<2000000x64xf32, #tpu.memory_space<hbm>> -> memref<2000000x64xf32, #tpu.memory_space<hbm>>
    tpu.wait_indirect_dma semaphore(%arg7 : memref<!tpu.dma_semaphore, #tpu.memory_space<semaphore_mem>>) src(%dma_wait3A_54 : memref<2000000x64xf32, #tpu.memory_space<hbm>>) dst(%dma_wait3A_49 : memref<256x64xf32, #tpu.memory_space<vmem>>)
    %add3A_55 = arith.constant 27648 : i32
    %add3A_56 = arith.addi %mul3A_2, %add3A_55 : i32
    %dma_start3A_57 = arith.constant 0 : i32
    %dma_start3A_58 = arith.constant 0 : i32
    %dma_start3A_59 = arith.constant 0 : i32
    %dma_start3A_60 = tpu.memref_slice %arg6[%dma_start3A_57, %dma_start3A_58, %dma_start3A_59] : memref<4x256x64xf32, #tpu.memory_space<vmem>> -> memref<1x256x64xf32, #tpu.memory_space<vmem>>
    %dma_start3A_61 = tpu.memref_squeeze %dma_start3A_60 : memref<1x256x64xf32, #tpu.memory_space<vmem>> -> memref<256x64xf32, #tpu.memory_space<vmem>>
    %dma_start3A_62 = arith.constant 0 : i32
    %dma_start3A_63 = tpu.memref_slice %arg4[%add3A_56, %dma_start3A_62] : memref<917504x128xf32, #tpu.memory_space<hbm>> -> memref<256x64xf32, #tpu.memory_space<hbm>>
    %dma_start3A_64 = arith.constant 0 : i32
    %dma_start3A_65 = tpu.memref_slice %arg4[%add3A_56, %dma_start3A_64] : memref<917504x128xf32, #tpu.memory_space<hbm>> -> memref<256x64xf32, #tpu.memory_space<hbm>>
    %dma_start3A_66 = arith.constant 0 : i32
    %dma_start3A_67 = arith.constant 0 : i32
    %dma_start3A_68 = tpu.memref_slice %arg6[%dma_start3A_57, %dma_start3A_66, %dma_start3A_67] : memref<4x256x64xf32, #tpu.memory_space<vmem>> -> memref<1x256x64xf32, #tpu.memory_space<vmem>>
    %dma_start3A_69 = tpu.memref_squeeze %dma_start3A_68 : memref<1x256x64xf32, #tpu.memory_space<vmem>> -> memref<256x64xf32, #tpu.memory_space<vmem>>
    tpu.enqueue_dma source(%dma_start3A_69 : memref<256x64xf32, #tpu.memory_space<vmem>>) target(%dma_start3A_65 : memref<256x64xf32, #tpu.memory_space<hbm>>) target_semaphore(%arg11 : memref<!tpu.dma_semaphore, #tpu.memory_space<semaphore_mem>>)
    %dma_wait3A_70 = arith.constant 1 : i32
    %dma_wait3A_71 = arith.constant 0 : i32
    %dma_wait3A_72 = arith.constant 0 : i32
    %dma_wait3A_73 = tpu.memref_slice %arg6[%dma_wait3A_70, %dma_wait3A_71, %dma_wait3A_72] : memref<4x256x64xf32, #tpu.memory_space<vmem>> -> memref<1x256x64xf32, #tpu.memory_space<vmem>>
    %dma_wait3A_74 = tpu.memref_squeeze %dma_wait3A_73 : memref<1x256x64xf32, #tpu.memory_space<vmem>> -> memref<256x64xf32, #tpu.memory_space<vmem>>
    %dma_wait3A_75 = arith.constant 27904 : i32
    %dma_wait3A_76 = tpu.memref_slice %arg5[%dma_wait3A_75] : memref<28672xi32, #tpu.memory_space<vmem>> -> memref<256xi32, #tpu.memory_space<vmem>>
    %dma_wait3A_77 = arith.constant 0 : i32
    %dma_wait3A_78 = arith.constant 0 : i32
    %dma_wait3A_79 = tpu.memref_slice %arg3[%dma_wait3A_77, %dma_wait3A_78] : memref<2000000x64xf32, #tpu.memory_space<hbm>> -> memref<2000000x64xf32, #tpu.memory_space<hbm>>
    tpu.wait_indirect_dma semaphore(%arg8 : memref<!tpu.dma_semaphore, #tpu.memory_space<semaphore_mem>>) src(%dma_wait3A_79 : memref<2000000x64xf32, #tpu.memory_space<hbm>>) dst(%dma_wait3A_74 : memref<256x64xf32, #tpu.memory_space<vmem>>)
    %add3A_80 = arith.constant 27904 : i32
    %add3A_81 = arith.addi %mul3A_2, %add3A_80 : i32
    %dma_start3A_82 = arith.constant 1 : i32
    %dma_start3A_83 = arith.constant 0 : i32
    %dma_start3A_84 = arith.constant 0 : i32
    %dma_start3A_85 = tpu.memref_slice %arg6[%dma_start3A_82, %dma_start3A_83, %dma_start3A_84] : memref<4x256x64xf32, #tpu.memory_space<vmem>> -> memref<1x256x64xf32, #tpu.memory_space<vmem>>
    %dma_start3A_86 = tpu.memref_squeeze %dma_start3A_85 : memref<1x256x64xf32, #tpu.memory_space<vmem>> -> memref<256x64xf32, #tpu.memory_space<vmem>>
    %dma_start3A_87 = arith.constant 0 : i32
    %dma_start3A_88 = tpu.memref_slice %arg4[%add3A_81, %dma_start3A_87] : memref<917504x128xf32, #tpu.memory_space<hbm>> -> memref<256x64xf32, #tpu.memory_space<hbm>>
    %dma_start3A_89 = arith.constant 0 : i32
    %dma_start3A_90 = tpu.memref_slice %arg4[%add3A_81, %dma_start3A_89] : memref<917504x128xf32, #tpu.memory_space<hbm>> -> memref<256x64xf32, #tpu.memory_space<hbm>>
    %dma_start3A_91 = arith.constant 0 : i32
    %dma_start3A_92 = arith.constant 0 : i32
    %dma_start3A_93 = tpu.memref_slice %arg6[%dma_start3A_82, %dma_start3A_91, %dma_start3A_92] : memref<4x256x64xf32, #tpu.memory_space<vmem>> -> memref<1x256x64xf32, #tpu.memory_space<vmem>>
    %dma_start3A_94 = tpu.memref_squeeze %dma_start3A_93 : memref<1x256x64xf32, #tpu.memory_space<vmem>> -> memref<256x64xf32, #tpu.memory_space<vmem>>
    tpu.enqueue_dma source(%dma_start3A_94 : memref<256x64xf32, #tpu.memory_space<vmem>>) target(%dma_start3A_90 : memref<256x64xf32, #tpu.memory_space<hbm>>) target_semaphore(%arg12 : memref<!tpu.dma_semaphore, #tpu.memory_space<semaphore_mem>>)
    %dma_wait3A_95 = arith.constant 2 : i32
    %dma_wait3A_96 = arith.constant 0 : i32
    %dma_wait3A_97 = arith.constant 0 : i32
    %dma_wait3A_98 = tpu.memref_slice %arg6[%dma_wait3A_95, %dma_wait3A_96, %dma_wait3A_97] : memref<4x256x64xf32, #tpu.memory_space<vmem>> -> memref<1x256x64xf32, #tpu.memory_space<vmem>>
    %dma_wait3A_99 = tpu.memref_squeeze %dma_wait3A_98 : memref<1x256x64xf32, #tpu.memory_space<vmem>> -> memref<256x64xf32, #tpu.memory_space<vmem>>
    %dma_wait3A_100 = arith.constant 28160 : i32
    %dma_wait3A_101 = tpu.memref_slice %arg5[%dma_wait3A_100] : memref<28672xi32, #tpu.memory_space<vmem>> -> memref<256xi32, #tpu.memory_space<vmem>>
    %dma_wait3A_102 = arith.constant 0 : i32
    %dma_wait3A_103 = arith.constant 0 : i32
    %dma_wait3A_104 = tpu.memref_slice %arg3[%dma_wait3A_102, %dma_wait3A_103] : memref<2000000x64xf32, #tpu.memory_space<hbm>> -> memref<2000000x64xf32, #tpu.memory_space<hbm>>
    tpu.wait_indirect_dma semaphore(%arg9 : memref<!tpu.dma_semaphore, #tpu.memory_space<semaphore_mem>>) src(%dma_wait3A_104 : memref<2000000x64xf32, #tpu.memory_space<hbm>>) dst(%dma_wait3A_99 : memref<256x64xf32, #tpu.memory_space<vmem>>)
    %add3A_105 = arith.constant 28160 : i32
    %add3A_106 = arith.addi %mul3A_2, %add3A_105 : i32
    %dma_start3A_107 = arith.constant 2 : i32
    %dma_start3A_108 = arith.constant 0 : i32
    %dma_start3A_109 = arith.constant 0 : i32
    %dma_start3A_110 = tpu.memref_slice %arg6[%dma_start3A_107, %dma_start3A_108, %dma_start3A_109] : memref<4x256x64xf32, #tpu.memory_space<vmem>> -> memref<1x256x64xf32, #tpu.memory_space<vmem>>
    %dma_start3A_111 = tpu.memref_squeeze %dma_start3A_110 : memref<1x256x64xf32, #tpu.memory_space<vmem>> -> memref<256x64xf32, #tpu.memory_space<vmem>>
    %dma_start3A_112 = arith.constant 0 : i32
    %dma_start3A_113 = tpu.memref_slice %arg4[%add3A_106, %dma_start3A_112] : memref<917504x128xf32, #tpu.memory_space<hbm>> -> memref<256x64xf32, #tpu.memory_space<hbm>>
    %dma_start3A_114 = arith.constant 0 : i32
    %dma_start3A_115 = tpu.memref_slice %arg4[%add3A_106, %dma_start3A_114] : memref<917504x128xf32, #tpu.memory_space<hbm>> -> memref<256x64xf32, #tpu.memory_space<hbm>>
    %dma_start3A_116 = arith.constant 0 : i32
    %dma_start3A_117 = arith.constant 0 : i32
    %dma_start3A_118 = tpu.memref_slice %arg6[%dma_start3A_107, %dma_start3A_116, %dma_start3A_117] : memref<4x256x64xf32, #tpu.memory_space<vmem>> -> memref<1x256x64xf32, #tpu.memory_space<vmem>>
    %dma_start3A_119 = tpu.memref_squeeze %dma_start3A_118 : memref<1x256x64xf32, #tpu.memory_space<vmem>> -> memref<256x64xf32, #tpu.memory_space<vmem>>
    tpu.enqueue_dma source(%dma_start3A_119 : memref<256x64xf32, #tpu.memory_space<vmem>>) target(%dma_start3A_115 : memref<256x64xf32, #tpu.memory_space<hbm>>) target_semaphore(%arg13 : memref<!tpu.dma_semaphore, #tpu.memory_space<semaphore_mem>>)
    %dma_wait3A_120 = arith.constant 3 : i32
    %dma_wait3A_121 = arith.constant 0 : i32
    %dma_wait3A_122 = arith.constant 0 : i32
    %dma_wait3A_123 = tpu.memref_slice %arg6[%dma_wait3A_120, %dma_wait3A_121, %dma_wait3A_122] : memref<4x256x64xf32, #tpu.memory_space<vmem>> -> memref<1x256x64xf32, #tpu.memory_space<vmem>>
    %dma_wait3A_124 = tpu.memref_squeeze %dma_wait3A_123 : memref<1x256x64xf32, #tpu.memory_space<vmem>> -> memref<256x64xf32, #tpu.memory_space<vmem>>
    %dma_wait3A_125 = arith.constant 28416 : i32
    %dma_wait3A_126 = tpu.memref_slice %arg5[%dma_wait3A_125] : memref<28672xi32, #tpu.memory_space<vmem>> -> memref<256xi32, #tpu.memory_space<vmem>>
    %dma_wait3A_127 = arith.constant 0 : i32
    %dma_wait3A_128 = arith.constant 0 : i32
    %dma_wait3A_129 = tpu.memref_slice %arg3[%dma_wait3A_127, %dma_wait3A_128] : memref<2000000x64xf32, #tpu.memory_space<hbm>> -> memref<2000000x64xf32, #tpu.memory_space<hbm>>
    tpu.wait_indirect_dma semaphore(%arg10 : memref<!tpu.dma_semaphore, #tpu.memory_space<semaphore_mem>>) src(%dma_wait3A_129 : memref<2000000x64xf32, #tpu.memory_space<hbm>>) dst(%dma_wait3A_124 : memref<256x64xf32, #tpu.memory_space<vmem>>)
    %add3A_130 = arith.constant 28416 : i32
    %add3A_131 = arith.addi %mul3A_2, %add3A_130 : i32
    %dma_start3A_132 = arith.constant 3 : i32
    %dma_start3A_133 = arith.constant 0 : i32
    %dma_start3A_134 = arith.constant 0 : i32
    %dma_start3A_135 = tpu.memref_slice %arg6[%dma_start3A_132, %dma_start3A_133, %dma_start3A_134] : memref<4x256x64xf32, #tpu.memory_space<vmem>> -> memref<1x256x64xf32, #tpu.memory_space<vmem>>
    %dma_start3A_136 = tpu.memref_squeeze %dma_start3A_135 : memref<1x256x64xf32, #tpu.memory_space<vmem>> -> memref<256x64xf32, #tpu.memory_space<vmem>>
    %dma_start3A_137 = arith.constant 0 : i32
    %dma_start3A_138 = tpu.memref_slice %arg4[%add3A_131, %dma_start3A_137] : memref<917504x128xf32, #tpu.memory_space<hbm>> -> memref<256x64xf32, #tpu.memory_space<hbm>>
    %dma_start3A_139 = arith.constant 0 : i32
    %dma_start3A_140 = tpu.memref_slice %arg4[%add3A_131, %dma_start3A_139] : memref<917504x128xf32, #tpu.memory_space<hbm>> -> memref<256x64xf32, #tpu.memory_space<hbm>>
    %dma_start3A_141 = arith.constant 0 : i32
    %dma_start3A_142 = arith.constant 0 : i32
    %dma_start3A_143 = tpu.memref_slice %arg6[%dma_start3A_132, %dma_start3A_141, %dma_start3A_142] : memref<4x256x64xf32, #tpu.memory_space<vmem>> -> memref<1x256x64xf32, #tpu.memory_space<vmem>>
    %dma_start3A_144 = tpu.memref_squeeze %dma_start3A_143 : memref<1x256x64xf32, #tpu.memory_space<vmem>> -> memref<256x64xf32, #tpu.memory_space<vmem>>
    tpu.enqueue_dma source(%dma_start3A_144 : memref<256x64xf32, #tpu.memory_space<vmem>>) target(%dma_start3A_140 : memref<256x64xf32, #tpu.memory_space<hbm>>) target_semaphore(%arg14 : memref<!tpu.dma_semaphore, #tpu.memory_space<semaphore_mem>>)
    %add3A_145 = arith.constant 27648 : i32
    %add3A_146 = arith.addi %mul3A_2, %add3A_145 : i32
    %dma_wait3A_147 = arith.constant 0 : i32
    %dma_wait3A_148 = arith.constant 0 : i32
    %dma_wait3A_149 = arith.constant 0 : i32
    %dma_wait3A_150 = tpu.memref_slice %arg6[%dma_wait3A_147, %dma_wait3A_148, %dma_wait3A_149] : memref<4x256x64xf32, #tpu.memory_space<vmem>> -> memref<1x256x64xf32, #tpu.memory_space<vmem>>
    %dma_wait3A_151 = tpu.memref_squeeze %dma_wait3A_150 : memref<1x256x64xf32, #tpu.memory_space<vmem>> -> memref<256x64xf32, #tpu.memory_space<vmem>>
    %dma_wait3A_152 = arith.constant 0 : i32
    %dma_wait3A_153 = tpu.memref_slice %arg4[%add3A_146, %dma_wait3A_152] : memref<917504x128xf32, #tpu.memory_space<hbm>> -> memref<256x64xf32, #tpu.memory_space<hbm>>
    %dma_wait3A_154 = arith.constant 0 : i32
    %dma_wait3A_155 = tpu.memref_slice %arg4[%add3A_146, %dma_wait3A_154] : memref<917504x128xf32, #tpu.memory_space<hbm>> -> memref<256x64xf32, #tpu.memory_space<hbm>>
    %dma_wait3A_156 = arith.constant 0 : i32
    %dma_wait3A_157 = arith.constant 0 : i32
    %dma_wait3A_158 = tpu.memref_slice %arg6[%dma_wait3A_147, %dma_wait3A_156, %dma_wait3A_157] : memref<4x256x64xf32, #tpu.memory_space<vmem>> -> memref<1x256x64xf32, #tpu.memory_space<vmem>>
    %dma_wait3A_159 = tpu.memref_squeeze %dma_wait3A_158 : memref<1x256x64xf32, #tpu.memory_space<vmem>> -> memref<256x64xf32, #tpu.memory_space<vmem>>
    tpu.wait_dma2 semaphore(%arg11 : memref<!tpu.dma_semaphore, #tpu.memory_space<semaphore_mem>>) src(%dma_wait3A_159 : memref<256x64xf32, #tpu.memory_space<vmem>>) dst(%dma_wait3A_155 : memref<256x64xf32, #tpu.memory_space<hbm>>)
    %add3A_160 = arith.constant 27904 : i32
    %add3A_161 = arith.addi %mul3A_2, %add3A_160 : i32
    %dma_wait3A_162 = arith.constant 1 : i32
    %dma_wait3A_163 = arith.constant 0 : i32
    %dma_wait3A_164 = arith.constant 0 : i32
    %dma_wait3A_165 = tpu.memref_slice %arg6[%dma_wait3A_162, %dma_wait3A_163, %dma_wait3A_164] : memref<4x256x64xf32, #tpu.memory_space<vmem>> -> memref<1x256x64xf32, #tpu.memory_space<vmem>>
    %dma_wait3A_166 = tpu.memref_squeeze %dma_wait3A_165 : memref<1x256x64xf32, #tpu.memory_space<vmem>> -> memref<256x64xf32, #tpu.memory_space<vmem>>
    %dma_wait3A_167 = arith.constant 0 : i32
    %dma_wait3A_168 = tpu.memref_slice %arg4[%add3A_161, %dma_wait3A_167] : memref<917504x128xf32, #tpu.memory_space<hbm>> -> memref<256x64xf32, #tpu.memory_space<hbm>>
    %dma_wait3A_169 = arith.constant 0 : i32
    %dma_wait3A_170 = tpu.memref_slice %arg4[%add3A_161, %dma_wait3A_169] : memref<917504x128xf32, #tpu.memory_space<hbm>> -> memref<256x64xf32, #tpu.memory_space<hbm>>
    %dma_wait3A_171 = arith.constant 0 : i32
    %dma_wait3A_172 = arith.constant 0 : i32
    %dma_wait3A_173 = tpu.memref_slice %arg6[%dma_wait3A_162, %dma_wait3A_171, %dma_wait3A_172] : memref<4x256x64xf32, #tpu.memory_space<vmem>> -> memref<1x256x64xf32, #tpu.memory_space<vmem>>
    %dma_wait3A_174 = tpu.memref_squeeze %dma_wait3A_173 : memref<1x256x64xf32, #tpu.memory_space<vmem>> -> memref<256x64xf32, #tpu.memory_space<vmem>>
    tpu.wait_dma2 semaphore(%arg12 : memref<!tpu.dma_semaphore, #tpu.memory_space<semaphore_mem>>) src(%dma_wait3A_174 : memref<256x64xf32, #tpu.memory_space<vmem>>) dst(%dma_wait3A_170 : memref<256x64xf32, #tpu.memory_space<hbm>>)
    %add3A_175 = arith.constant 28160 : i32
    %add3A_176 = arith.addi %mul3A_2, %add3A_175 : i32
    %dma_wait3A_177 = arith.constant 2 : i32
    %dma_wait3A_178 = arith.constant 0 : i32
    %dma_wait3A_179 = arith.constant 0 : i32
    %dma_wait3A_180 = tpu.memref_slice %arg6[%dma_wait3A_177, %dma_wait3A_178, %dma_wait3A_179] : memref<4x256x64xf32, #tpu.memory_space<vmem>> -> memref<1x256x64xf32, #tpu.memory_space<vmem>>
    %dma_wait3A_181 = tpu.memref_squeeze %dma_wait3A_180 : memref<1x256x64xf32, #tpu.memory_space<vmem>> -> memref<256x64xf32, #tpu.memory_space<vmem>>
    %dma_wait3A_182 = arith.constant 0 : i32
    %dma_wait3A_183 = tpu.memref_slice %arg4[%add3A_176, %dma_wait3A_182] : memref<917504x128xf32, #tpu.memory_space<hbm>> -> memref<256x64xf32, #tpu.memory_space<hbm>>
    %dma_wait3A_184 = arith.constant 0 : i32
    %dma_wait3A_185 = tpu.memref_slice %arg4[%add3A_176, %dma_wait3A_184] : memref<917504x128xf32, #tpu.memory_space<hbm>> -> memref<256x64xf32, #tpu.memory_space<hbm>>
    %dma_wait3A_186 = arith.constant 0 : i32
    %dma_wait3A_187 = arith.constant 0 : i32
    %dma_wait3A_188 = tpu.memref_slice %arg6[%dma_wait3A_177, %dma_wait3A_186, %dma_wait3A_187] : memref<4x256x64xf32, #tpu.memory_space<vmem>> -> memref<1x256x64xf32, #tpu.memory_space<vmem>>
    %dma_wait3A_189 = tpu.memref_squeeze %dma_wait3A_188 : memref<1x256x64xf32, #tpu.memory_space<vmem>> -> memref<256x64xf32, #tpu.memory_space<vmem>>
    tpu.wait_dma2 semaphore(%arg13 : memref<!tpu.dma_semaphore, #tpu.memory_space<semaphore_mem>>) src(%dma_wait3A_189 : memref<256x64xf32, #tpu.memory_space<vmem>>) dst(%dma_wait3A_185 : memref<256x64xf32, #tpu.memory_space<hbm>>)
    %add3A_190 = arith.constant 28416 : i32
    %add3A_191 = arith.addi %mul3A_2, %add3A_190 : i32
    %dma_wait3A_192 = arith.constant 3 : i32
    %dma_wait3A_193 = arith.constant 0 : i32
    %dma_wait3A_194 = arith.constant 0 : i32
    %dma_wait3A_195 = tpu.memref_slice %arg6[%dma_wait3A_192, %dma_wait3A_193, %dma_wait3A_194] : memref<4x256x64xf32, #tpu.memory_space<vmem>> -> memref<1x256x64xf32, #tpu.memory_space<vmem>>
    %dma_wait3A_196 = tpu.memref_squeeze %dma_wait3A_195 : memref<1x256x64xf32, #tpu.memory_space<vmem>> -> memref<256x64xf32, #tpu.memory_space<vmem>>
    %dma_wait3A_197 = arith.constant 0 : i32
    %dma_wait3A_198 = tpu.memref_slice %arg4[%add3A_191, %dma_wait3A_197] : memref<917504x128xf32, #tpu.memory_space<hbm>> -> memref<256x64xf32, #tpu.memory_space<hbm>>
    %dma_wait3A_199 = arith.constant 0 : i32
    %dma_wait3A_200 = tpu.memref_slice %arg4[%add3A_191, %dma_wait3A_199] : memref<917504x128xf32, #tpu.memory_space<hbm>> -> memref<256x64xf32, #tpu.memory_space<hbm>>
    %dma_wait3A_201 = arith.constant 0 : i32
    %dma_wait3A_202 = arith.constant 0 : i32
    %dma_wait3A_203 = tpu.memref_slice %arg6[%dma_wait3A_192, %dma_wait3A_201, %dma_wait3A_202] : memref<4x256x64xf32, #tpu.memory_space<vmem>> -> memref<1x256x64xf32, #tpu.memory_space<vmem>>
    %dma_wait3A_204 = tpu.memref_squeeze %dma_wait3A_203 : memref<1x256x64xf32, #tpu.memory_space<vmem>> -> memref<256x64xf32, #tpu.memory_space<vmem>>
    tpu.wait_dma2 semaphore(%arg14 : memref<!tpu.dma_semaphore, #tpu.memory_space<semaphore_mem>>) src(%dma_wait3A_204 : memref<256x64xf32, #tpu.memory_space<vmem>>) dst(%dma_wait3A_200 : memref<256x64xf32, #tpu.memory_space<hbm>>)
    return
  }
}

</mosaic_0001>

<sc_bundles>
// kernel: _gather.3.cloned.1.call-start
scs
__scs_entry_jumppad:
0x0: {  	(pc) =	sbr.rel $0x88, $3  }
0x1: {  	(tag) =	ssettag $0x0;
	lr =	simm.s32 $0x1  }
0x2: {  	[smem:$0x3F9F] =	sst lr;
	_ =	strace $0xD0000000  }
0x3: {  	_ = 	snop  }
0x4: {  	_ = 	snop  }
0x5: {  	_ = 	snop  }
0x6: {  	_ = 	snop  }
0x7: {  	_ = 	snop  }
__scs_overlays_trampoline_lowered:
0x8: {  	[smem:$0x3FAE] =	sst s0  }
0x9: {  	[smem:$0x3FAF] =	sst s1  }
0xa: {  	[smem:$0x3FB0] =	sst s2  }
0xb: {  	[smem:$0x3FB1] =	sst s3  }
0xc: {  	[smem:$0x3FB2] =	sst s4  }
0xd: {  	[smem:$0x3FB3] =	sst s5  }
0xe: {  	[smem:$0x3FB4] =	sst s6  }
0xf: {  	[smem:$0x3FB5] =	sst s7  }
0x10: {  	[smem:$0x3FB6] =	sst s8  }
0x11: {  	[smem:$0x3FB7] =	sst s9;
	s0 =	simm.s32 @!p0 $0x0  }
0x12: {  	s1 =	sld [smem:$0x3F9D];
	s0 =	simm.s32 @p0 $0x1  }
0x13: {  	[smem:$0x3FB8] =	sst s0;
	s0 =	simm.s32 @!p1 $0x0  }
0x14: {  	s2 =	sld [smem:$0x3F9C];
	s0 =	simm.s32 @p1 $0x1  }
0x15: {  	[smem:$0x3FB9] =	sst s0;
	s0 =	simm.s32 @!p2 $0x0  }
0x16: {  	s3 =	sld [smem:$0x3FDB];
	s0 =	simm.s32 @p2 $0x1  }
0x17: {  	s4 =	simm.s32 $0x1BF5;
	[smem:$0x3FBB] =	sst s0  }
0x18: {  	s0 =	sld [smem:$0x3F9E];
	_ =	swait.ge [sflag:s4], $0x0  }
0x19: {  	s7 =	sld [smem:$0x3F9F]  }
0x1a: {  	s8 =	sadd.s32 $0xFFFFE003, lr  }
0x1b: {  	s9 =	sadd.s32 $0xFFFFFEF7, lr;
	s5 =	simm.s32 $0xFFFFFFFF;
	p2 =	slt.u32 s8, $0xFFFFF086  }
0x1c: {  	p1 =	slt.u32 s9, $0xF7A;
	s5 =	simm.s32 @!p2 $0x0  }
0x1d: {  	s5 =	simm.s32 @p1 $0x1;
	p0 =	seq.s32 s7, s2  }
0x1e: {  	s7 =	smul.u32 @!p0 $0xF7A, s2;
	p2 =	seq.s32 @!p0 s5, $0x0  }
0x1f: {  	s9 =	smul.u32 $0xF7A, s1;
	s8 =	simm.s32 @!p0 $0x1BF5;
	p2 =	por !p2, p0  }
0x20: {  	[sflag:s8] =	ssyncset.s32 @!p0 $0xFFFFF086;
	s6 =	sadd.s32 @!p0 s3, s7;
	s7 =	simm.s32 @!p0 $0x108  }
0x21: {  	s3 =	sadd.s32 s3, s9;
	s6 =	sadd.s32 @!p0 $0x88, s6;
	s7 =	simm.s32 @p2 $0x1082  }
0x22: {  	[simem:s7], [sflag:s8] =	dma.local @!p0 [hbm:s6], $0xF7A  }
0x23: {  	s9 =	sor.u32 $0xD0000000, s2;
	s6 =	simm.s32 $0x108;
	_ =	swait.ge @!p0 [sflag:s8], $0x0  }
0x24: {  	s3 =	sadd.s32 $0x88, s3;
	s6 =	simm.s32 @!p1 $0x1082;
	[sflag:s4] =	ssyncset.s32 $0xFFFFF086  }
0x25: {  	[simem:s6], [sflag:s4] =	dma.local [hbm:s3], $0xF7A  }
0x26: {  	[smem:$0x3F9F] =	sst s1;
	(tag) =	ssettag s2;
	_ =	strace s9  }
0x27: {  	s1 =	sld [smem:$0x3FAF]  }
0x28: {  	s2 =	sld [smem:$0x3FB0]  }
0x29: {  	s4 =	sld [smem:$0x3FB2]  }
0x2a: {  	p0 =	seq.s32 s5, $0x0;
	s5 =	sld [smem:$0x3FB3]  }
0x2b: {  	s6 =	sld [smem:$0x3FB4]  }
0x2c: {  	s7 =	sld [smem:$0x3FB5]  }
0x2d: {  	s3 =	simm.s32 $0x108;
	s8 =	sld [smem:$0x3FB6]  }
0x2e: {  	s3 =	simm.s32 @!p0 $0x1082;
	s9 =	sld [smem:$0x3FB7]  }
0x2f: {  	lr =	sadd.s32 s0, s3;
	s0 =	sld [smem:$0x3FAE]  }
0x30: {  	s3 =	sld [smem:$0x3FB1]  }
0x31: {  	[smem:$0x3FBA] =	sst s10  }
0x32: {  	s10 =	sld [smem:$0x3FB8];
	_ =	sdelay $0x3  }
0x33: {  	p0 =	seq.s32 s10, $0x1;
	s10 =	sld [smem:$0x3FBA];
	_ =	sdelay $0x3  }
0x34: {  	[smem:$0x3FBA] =	sst s10  }
0x35: {  	s10 =	sld [smem:$0x3FB9];
	_ =	sdelay $0x3  }
0x36: {  	p1 =	seq.s32 s10, $0x1;
	s10 =	sld [smem:$0x3FBA];
	_ =	sdelay $0x3  }
0x37: {  	[smem:$0x3FBA] =	sst s10  }
0x38: {  	s10 =	sld [smem:$0x3FBB]  }
0x39: {  	_ = 	snop;
	(pc) =	sbr.ind lr, $3  }
0x3a: {  	_ = 	snop  }
0x3b: {  	_ = 	snop  }
0x3c: {  	p2 =	seq.s32 s10, $0x1;
	s10 =	sld [smem:$0x3FBA]  }
0x3d: {  	_ =	shalt  }
0x3e: {  	_ =	shalt  }
0x3f: {  	_ =	shalt  }
0x40: {  	_ =	shalt  }
0x41: {  	_ =	shalt  }
0x42: {  	_ =	shalt  }
0x43: {  	_ =	shalt  }
0x44: {  	_ =	shalt  }
0x45: {  	_ =	shalt  }
0x46: {  	_ =	shalt  }
0x47: {  	_ =	shalt  }
0x48: {  	_ =	shalt  }
0x49: {  	_ =	shalt  }
0x4a: {  	_ =	shalt  }
0x4b: {  	_ =	shalt  }
0x4c: {  	_ =	shalt  }
0x4d: {  	_ =	shalt  }
0x4e: {  	_ =	shalt  }
0x4f: {  	_ =	shalt  }
0x50: {  	_ =	shalt  }
0x51: {  	_ =	shalt  }
0x52: {  	_ =	shalt  }
0x53: {  	_ =	shalt  }
0x54: {  	_ =	shalt  }
0x55: {  	_ =	shalt  }
0x56: {  	_ =	shalt  }
0x57: {  	_ =	shalt  }
0x58: {  	_ =	shalt  }
0x59: {  	_ =	shalt  }
0x5a: {  	_ =	shalt  }
0x5b: {  	_ =	shalt  }
0x5c: {  	_ =	shalt  }
0x5d: {  	_ =	shalt  }
0x5e: {  	_ =	shalt  }
0x5f: {  	_ =	shalt  }
0x60: {  	_ =	shalt  }
0x61: {  	_ =	shalt  }
0x62: {  	_ =	shalt  }
0x63: {  	_ =	shalt  }
0x64: {  	_ =	shalt  }
0x65: {  	_ =	shalt  }
0x66: {  	_ =	shalt  }
0x67: {  	_ =	shalt  }
0x68: {  	_ =	shalt  }
0x69: {  	_ =	shalt  }
0x6a: {  	_ =	shalt  }
0x6b: {  	_ =	shalt  }
0x6c: {  	_ =	shalt  }
0x6d: {  	_ =	shalt  }
0x6e: {  	_ =	shalt  }
0x6f: {  	_ =	shalt  }
0x70: {  	_ =	shalt  }
0x71: {  	_ =	shalt  }
0x72: {  	_ =	shalt  }
0x73: {  	_ =	shalt  }
0x74: {  	_ =	shalt  }
0x75: {  	_ =	shalt  }
0x76: {  	_ =	shalt  }
0x77: {  	_ =	shalt  }
0x78: {  	_ =	shalt  }
0x79: {  	_ =	shalt  }
0x7a: {  	_ =	shalt  }
0x7b: {  	_ =	shalt  }
0x7c: {  	_ =	shalt  }
0x7d: {  	_ =	shalt  }
0x7e: {  	_ =	shalt  }
0x7f: {  	_ =	shalt  }
0x80: {  	_ =	shalt  }
0x81: {  	_ =	shalt  }
0x82: {  	_ =	shalt  }
0x83: {  	_ =	shalt  }
0x84: {  	_ =	shalt  }
0x85: {  	_ =	shalt  }
0x86: {  	_ =	shalt  }
0x87: {  	_ =	shalt  }
.Lfunc_end0:
.L_simem_size_0:
called_computation_lowered:
.L_overlay_start_0:
0x88: {  	s2 =	sld [smem:$0x3FD9]  }
0x89: {  	s3 =	sld [smem:$0x3FFE];
	_ =	sdelay $0x1  }
0x8a: {  	s1 =	srdreg.scid  }
0x8b: {  	s0 =	sand.u32 $0x1, s1  }
0x8c: {  	s17 =	sshll.u32 s0, $0xA;
	s2 =	sadd.s32 s3, s2  }
0x8d: {  	s2 =	sadd.s32 s2, s17  }
0x8e: {  	[smem:$0x3FC6] =	sst s2  }
0x8f: {  	_ = 	snop  }
0x90: {  	s2 =	sld [smem:$0x3FC9]  }
0x91: {  	s18 =	sld [smem:$0x3FD0];
	(tm) =	ssettm $0x1  }
0x92: {  	s4 =	sld [smem:$0x3FFB];
	_ =	sdelay $0x3  }
0x93: {  	_ =	strace s4  }
0x94: {  	s4 =	sld [smem:$0x3FFC];
	_ =	sdelay $0x3  }
0x95: {  	_ =	strace s4  }
0x96: {  	s4 =	sld [smem:$0x3FFD];
	_ =	sdelay $0x3  }
0x97: {  	_ =	strace s4  }
0x98: {  	_ =	strace $0x8FFFFFFF  }
0x99: {  	s19 =	sld [smem:$0x3FDB];
	_ =	sdelay $0x1  }
0x9a: {  	s5 =	simm.s32 $_scs_section_size  }
0x9b: {  	s6 =	simm.s32 $_size__tile_overlayer_lowered;
	s7 =	simm.s32 $_tile_overlayer_lowered  }
0x9c: {  	s22 =	simm.s32 $0x1BFF;
	s21 =	sshll.u32 s7, $0x1;
	s4 =	sadd.s32 s5, s19  }
0x9d: {  	s8 =	simm.s32 $0x0;
	s20 =	sshll.u32 s6, $0x1;
	s6 =	sadd.s32 s21, s4  }
0x9e: {  	[timem:s8], [sflag:s22] =	dma.local [hbm:s6], s20  }
0x9f: {  	_ =	swait.ge [sflag:s22], s20  }
0xa0: {  	s5 =	ssub.s32 $0x0, s20;
	[sflag:s22] =	ssyncset.done $0x0  }
0xa1: {  	[sflag:s22] =	ssyncadd.s32 s5;
	_ =	sdelay $0x1  }
0xa2: {  	s23 =	simm.s32 $0x1B8B  }
0xa3: {  	_ =	swait.ge [sflag:s23], $0x1  }
0xa4: {  	[sflag:s23] =	ssyncset.done $0x0  }
0xa5: {  	s25 =	simm.s32 $0x1B8E;
	s24 =	sld [smem:$0x3FFE];
	[sflag:s23] =	ssyncadd.s32 $0xFFFFFFFF  }
0xa6: {  	s26 =	simm.s32 $execute0_lowered;
	[smem:$0x3FD2] =	sst s25  }
0xa7: {  	s6 =	sshll.u32 s26, $0x1;
	_ =	strace $0x80000046;
	[dreg:$0x1] =	wrdreg $0xFFFFFFFF  }
0xa8: {  	s28 =	simm.s32 $_size_execute0_lowered;
	s4 =	sadd.s32 s4, s6;
	[dreg:$0x0] =	wrdreg $0x0  }
0xa9: {  	s6 =	sshll.u32 s28, $0x1;
	[dreg:$0x2] =	wrdreg s4  }
0xaa: {  	[dreg:$0x3] =	wrdreg s6  }
0xab: {  	[dreg:$0x4] =	wrdreg $0xC0  }
0xac: {  	_ =	task [dreg:s8], $0x5FFFF  }
0xad: {  	[dreg:$0x1] =	wrdreg $0xFFFFFFFF  }
0xae: {  	[dreg:$0x0] =	wrdreg $0x60  }
0xaf: {  	[dreg:$0x2] =	wrdreg s2  }
0xb0: {  	[dreg:$0x3] =	wrdreg s24  }
0xb1: {  	[dreg:$0x4] =	wrdreg s18  }
0xb2: {  	[dreg:$0x5] =	wrdreg $0x9  }
0xb3: {  	_ =	task.clear_ibuf [dreg:s8], $0x6FFFF;
	_ =	strace $0x90000046  }
0xb4: {  	s29 =	simm.s32 $0x9;
	_ =	strace $0x80000048  }
0xb5: {  	_ =	swait.ge [sflag:s29], $0x1  }
0xb6: {  	[sflag:s29] =	ssyncadd.s32 $0xFFFFFFFF  }
0xb7: {  	_ =	strace $0x90000048  }
0xb8: {  	_ =	sfence  }
0xb9: {  	s30 =	sld [smem:$0x0];
	_ =	sdelay $0x2  }
0xba: {  	s31 =	sshll.u32 s1, $0xD;
	s1 =	sshrl.u32 s1, $0x2  }
0xbb: {  	s3 =	sand.u32 $0x4000, s31;
	s1 =	sadd.s32 s1, s30  }
0xbc: {  	s0 =	sor.u32 s3, s0;
	s1 =	sshll.u32 s1, $0x11  }
0xbd: {  	s0 =	sor.u32 s1, s0  }
0xbe: {  	s0 =	sadd.s32 $0x8F2B, s0  }
0xbf: {  	[sflag:s0] =	ssyncadd.remote.s32 $0x1  }
0xc0: {  	_ =	sfence.sel $0xFFFF  }
0xc1: {  	[dreg:$0x0] =	wrdreg $0xFFFFFFFF;
	(pc) =	sbr.abs _section_cstart, $3  }
0xc2: {  	[dreg:$0x1] =	wrdreg $0xFFFFFFFF  }
0xc3: {  	_ =	task.clear_ibuf [dreg:s8], $0x2FFFF;
	_ =	strace $0x9FFFFFFF  }
0xc4: {  	(tm) =	ssettm $0x7FFFFFFF  }
0xc5: {  	_ =	shalt  }
tec
execute0_lowered:
.L_overlay_start_1:
0x0: {  	(tag) =	ssettag $0x1  }
0x1: {  	s0 =	rddreg [dreg:$0x0];
	s1 =	srdreg.scid  }
0x2: {  	s9 =	stileid.u32;
	s2 =	rddreg [dreg:$0x1]  }
0x3: {  	s10 =	rddreg [dreg:$0x2];
	s5 =	simm.s32 $0x0;
	s14 =	simm.s32 $0x9  }
0x4: {  	s15 =	simm.s32 $0x100;
	s16 =	simm.s32 $0x7000;
	s17 =	simm.s32 $0xB000  }
0x5: {  	s28 =	simm.s32 $0x4;
	s29 =	simm.s32 $0x5;
	s8 =	smul.u32 $0x700000, s9  }
0x6: {  	s30 =	simm.s32 $0x6;
	s1 =	sand.u32 $0x1, s1;
	s20 =	smul.u32 $0xE000, s9  }
0x7: {  	s3 =	sshll.u32 s9, $0x1;
	[smem:$0x7FF] =	sst s5;
	s22 =	smul.u32 $0x7000, s1  }
0x8: {  	s3 =	sor.u32 s1, s3;
	s18 =	ssub.s32 $0x2, s1;
	s1 =	smul.u32 $0x380000, s1  }
0x9: {  	s31 =	simm.s32 $0x7;
	_ =	strace $0x80000047;
	s4 =	smul.u32 $0x7000, s3  }
0xa: {  	s6 =	smul.u32 $0x380000, s3;
	s7 =	sshrl.u32 s18, $0x1;
	s3 =	sadd.s32 $0x1E84C00, s2  }
0xb: {  	s19 =	ssub.s32 s18, s7;
	s9 =	sadd.s32 s22, s20;
	s1 =	sadd.s32 s1, s8  }
0xc: {  	s22 =	simm.s32 $0x1;
	s4 =	sshrl.u32 s4, $0x3;
	s21 =	sshrl.u32 s6, $0x3  }
0xd: {  	s9 =	sshll.u32 s9, $0x4;
	s25 =	sshrl.u32 s1, $0x3;
	s1 =	simm.s32 $0x8  }
0xe: {  	s0 =	sadd.s32 s0, s4;
	s23 =	sadd.s32 s10, s21;
	s26 =	sadd.s32 s9, s10  }
0xf: {  	s9 =	smax.u32 s19, $0x1;
	s10 =	sadd.s32 s25, s10;
	s19 =	simm.s32 $0xF000  }
0x10: {  	s21 =	simm.s32 $0x13000;
	s25 =	simm.s32 $0x2;
	[dreg:$0x4] =	wrdreg s0  }
0x11: {  	s24 =	sadd.s32 $0x6C000, s23;
	s6 =	sadd.s32 $0x6D000, s23;
	s7 =	sadd.s32 $0x6E000, s23  }
0x12: {  	s8 =	sadd.s32 $0x6F000, s23;
	s11 =	sadd.s32 $0x3000, s26;
	s12 =	sadd.s32 $0x2000, s26  }
0x13: {  	s13 =	sadd.s32 $0x1000, s26;
	s23 =	simm.s32 $0x40;
	s26 =	simm.s32 $0x3  }
0x14: {  	s0 =	simm.s32 $0x0;
	[dreg:$0x5] =	wrdreg s24;
	s24 =	simm.s32 $0x80  }
.LBB2_1:
0x15: {  	s2 =	simm.s32 $0x0;
	s4 =	rddreg [dreg:$0x4]  }
0x16: {  	[tilespmem:s2], [sflag:$0x9] =	stream.linear.gather [hbm4b:s4+s2], $0x7000, $0x38;
	[tilespmem:$0x17000] =	vst v63  }
0x17: {  	_ =	swait.ge [sflag:s14], $0x7000  }
0x18: {  	[sflag:s14] =	ssyncset.done $0x0  }
0x19: {  	[sflag:s14] =	ssyncadd.s32 $0xFFFF9000  }
0x1a: {  	[tilespmem:s16], [sflag:$0x1] =	stream.indirect.gather [hbm4b:s3+s15], $0x40, s2, s15, $0xb8;
	[tilespmem:$0x17000] =	vst v63  }
0x1b: {  	_ = 	snop  }
0x1c: {  	[tilespmem:s17], [sflag:$0x2] =	stream.indirect.gather [hbm4b:s3+s15], $0x40, s15, s15, $0xb8;
	[tilespmem:$0x17000] =	vst v63  }
0x1d: {  	s20 =	simm.s32 $0x200  }
0x1e: {  	[tilespmem:s19], [sflag:$0x3] =	stream.indirect.gather [hbm4b:s3+s15], $0x40, s20, s15, $0xb8;
	[tilespmem:$0x17000] =	vst v63  }
0x1f: {  	s4 =	simm.s32 $0x300  }
0x20: {  	[tilespmem:s21], [sflag:$0x4] =	stream.indirect.gather [hbm4b:s3+s15], $0x40, s4, s15, $0xb8;
	[tilespmem:$0x17000] =	vst v63  }
0x21: {  	_ =	swait.ge [sflag:s22], $0x4000  }
0x22: {  	[sflag:s22] =	ssyncset.done $0x0  }
0x23: {  	s5 =	sadd.s32 $0x0, s10;
	[sflag:s22] =	ssyncadd.s32 $0xFFFFC000  }
0x24: {  	[hbm4b:s5+s23] =	stream.strided.scatter [tilespmem:s16], [sflag:$0x5], $0x4000, s24, s23, $0x38;
	[tilespmem:$0x17000] =	vst v63  }
0x25: {  	_ =	swait.ge [sflag:s25], $0x4000  }
0x26: {  	[sflag:s25] =	ssyncset.done $0x0  }
0x27: {  	s18 =	sadd.s32 $0x0, s13;
	[sflag:s25] =	ssyncadd.s32 $0xFFFFC000  }
0x28: {  	[hbm4b:s18+s23] =	stream.strided.scatter [tilespmem:s17], [sflag:$0x6], $0x4000, s24, s23, $0x38;
	[tilespmem:$0x17000] =	vst v63  }
0x29: {  	_ =	swait.ge [sflag:s26], $0x4000  }
0x2a: {  	[sflag:s26] =	ssyncset.done $0x0  }
0x2b: {  	s20 =	sadd.s32 $0x0, s12;
	[sflag:s26] =	ssyncadd.s32 $0xFFFFC000  }
0x2c: {  	[hbm4b:s20+s23] =	stream.strided.scatter [tilespmem:s19], [sflag:$0x7], $0x4000, s24, s23, $0x38;
	[tilespmem:$0x17000] =	vst v63  }
0x2d: {  	_ =	swait.ge [sflag:s28], $0x4000  }
0x2e: {  	[sflag:s28] =	ssyncset.done $0x0  }
0x2f: {  	s4 =	sadd.s32 $0x0, s11;
	[sflag:s28] =	ssyncadd.s32 $0xFFFFC000  }
0x30: {  	[hbm4b:s4+s23] =	stream.strided.scatter [tilespmem:s21], [sflag:$0x8], $0x4000, s24, s23, $0x38;
	[tilespmem:$0x17000] =	vst v63  }
0x31: {  	_ =	swait.ge [sflag:s29], $0x4000  }
0x32: {  	[sflag:s29] =	ssyncset.done $0x0  }
0x33: {  	s5 =	simm.s32 $0x400;
	[sflag:s29] =	ssyncadd.s32 $0xFFFFC000  }
0x34: {  	[tilespmem:s16], [sflag:$0x1] =	stream.indirect.gather [hbm4b:s3+s15], $0x40, s5, s15, $0xb8;
	[tilespmem:$0x17000] =	vst v63  }
0x35: {  	_ =	swait.ge [sflag:s30], $0x4000  }
0x36: {  	[sflag:s30] =	ssyncset.done $0x0  }
0x37: {  	s18 =	simm.s32 $0x500;
	[sflag:s30] =	ssyncadd.s32 $0xFFFFC000  }
0x38: {  	[tilespmem:s17], [sflag:$0x2] =	stream.indirect.gather [hbm4b:s3+s15], $0x40, s18, s15, $0xb8;
	[tilespmem:$0x17000] =	vst v63  }
0x39: {  	_ =	swait.ge [sflag:s31], $0x4000  }
0x3a: {  	[sflag:s31] =	ssyncset.done $0x0  }
0x3b: {  	s20 =	simm.s32 $0x600;
	[sflag:s31] =	ssyncadd.s32 $0xFFFFC000  }
0x3c: {  	[tilespmem:s19], [sflag:$0x3] =	stream.indirect.gather [hbm4b:s3+s15], $0x40, s20, s15, $0xb8;
	[tilespmem:$0x17000] =	vst v63  }
0x3d: {  	_ =	swait.ge [sflag:s1], $0x4000  }
0x3e: {  	s2 =	simm.s32 $0xB00;
	[sflag:s1] =	ssyncset.done $0x0  }
0x3f: {  	s18 =	simm.s32 $0x700;
	s20 =	simm.s32 $0x4000;
	[sflag:s1] =	ssyncadd.s32 $0xFFFFC000  }
.LBB2_2:
0x40: {  	[tilespmem:s21], [sflag:$0x4] =	stream.indirect.gather [hbm4b:s3+s15], $0x40, s18, s15, $0xb8;
	[tilespmem:$0x17000] =	vst v63  }
0x41: {  	s4 =	smov.u32 s20;
	s18 =	smov.u32 s2  }
0x42: {  	p0 =	sne.s32 s20, $0x68000;
	s20 =	sadd.s32 $0x4000, s20;
	_ =	swait.ge [sflag:s22], $0x4000  }
0x43: {  	[sflag:s22] =	ssyncset.done $0x0  }
0x44: {  	s5 =	sadd.s32 s4, s10;
	[sflag:s22] =	ssyncadd.s32 $0xFFFFC000  }
0x45: {  	[hbm4b:s5+s23] =	stream.strided.scatter [tilespmem:s16], [sflag:$0x5], $0x4000, s24, s23, $0x38;
	[tilespmem:$0x17000] =	vst v63  }
0x46: {  	_ =	swait.ge [sflag:s25], $0x4000  }
0x47: {  	[sflag:s25] =	ssyncset.done $0x0  }
0x48: {  	s5 =	sadd.s32 s4, s13;
	[sflag:s25] =	ssyncadd.s32 $0xFFFFC000  }
0x49: {  	[hbm4b:s5+s23] =	stream.strided.scatter [tilespmem:s17], [sflag:$0x6], $0x4000, s24, s23, $0x38;
	[tilespmem:$0x17000] =	vst v63  }
0x4a: {  	_ =	swait.ge [sflag:s26], $0x4000  }
0x4b: {  	[sflag:s26] =	ssyncset.done $0x0  }
0x4c: {  	s5 =	sadd.s32 s4, s12;
	[sflag:s26] =	ssyncadd.s32 $0xFFFFC000  }
0x4d: {  	[hbm4b:s5+s23] =	stream.strided.scatter [tilespmem:s19], [sflag:$0x7], $0x4000, s24, s23, $0x38;
	[tilespmem:$0x17000] =	vst v63  }
0x4e: {  	_ =	swait.ge [sflag:s28], $0x4000  }
0x4f: {  	[sflag:s28] =	ssyncset.done $0x0  }
0x50: {  	s4 =	sadd.s32 s4, s11;
	[sflag:s28] =	ssyncadd.s32 $0xFFFFC000  }
0x51: {  	[hbm4b:s4+s23] =	stream.strided.scatter [tilespmem:s21], [sflag:$0x8], $0x4000, s24, s23, $0x38;
	[tilespmem:$0x17000] =	vst v63  }
0x52: {  	_ =	swait.ge [sflag:s29], $0x4000  }
0x53: {  	[sflag:s29] =	ssyncset.done $0x0  }
0x54: {  	s4 =	sadd.s32 $0xFFFFFD00, s2;
	[sflag:s29] =	ssyncadd.s32 $0xFFFFC000  }
0x55: {  	[tilespmem:s16], [sflag:$0x1] =	stream.indirect.gather [hbm4b:s3+s15], $0x40, s4, s15, $0xb8;
	[tilespmem:$0x17000] =	vst v63  }
0x56: {  	_ =	swait.ge [sflag:s30], $0x4000  }
0x57: {  	[sflag:s30] =	ssyncset.done $0x0  }
0x58: {  	s4 =	sadd.s32 $0xFFFFFE00, s2;
	[sflag:s30] =	ssyncadd.s32 $0xFFFFC000  }
0x59: {  	[tilespmem:s17], [sflag:$0x2] =	stream.indirect.gather [hbm4b:s3+s15], $0x40, s4, s15, $0xb8;
	[tilespmem:$0x17000] =	vst v63  }
0x5a: {  	_ =	swait.ge [sflag:s31], $0x4000  }
0x5b: {  	[sflag:s31] =	ssyncset.done $0x0  }
.Ltmp0:
0x5c: {  	s4 =	sadd.s32 $0xFFFFFF00, s2;
	[sflag:s31] =	ssyncadd.s32 $0xFFFFC000;
	(pc) =	sbr.rel @p0 .LBB2_2-.Ltmp0, $4  }
0x5d: {  	[tilespmem:s19], [sflag:$0x3] =	stream.indirect.gather [hbm4b:s3+s15], $0x40, s4, s15, $0xb8;
	[tilespmem:$0x17000] =	vst v63  }
0x5e: {  	_ =	swait.ge [sflag:s1], $0x4000  }
0x5f: {  	[sflag:s1] =	ssyncset.done $0x0  }
0x60: {  	s2 =	sadd.s32 $0x400, s2;
	[sflag:s1] =	ssyncadd.s32 $0xFFFFC000  }
0x61: {  	[tilespmem:s21], [sflag:$0x4] =	stream.indirect.gather [hbm4b:s3+s15], $0x40, s18, s15, $0xb8;
	[tilespmem:$0x17000] =	vst v63  }
0x62: {  	_ =	swait.ge [sflag:s22], $0x4000  }
0x63: {  	[sflag:s22] =	ssyncset.done $0x0  }
0x64: {  	s2 =	rddreg [dreg:$0x5];
	[sflag:s22] =	ssyncadd.s32 $0xFFFFC000  }
0x65: {  	[hbm4b:s2+s23] =	stream.strided.scatter [tilespmem:s16], [sflag:$0x5], $0x4000, s24, s23, $0x38;
	[tilespmem:$0x17000] =	vst v63  }
0x66: {  	_ =	swait.ge [sflag:s25], $0x4000  }
0x67: {  	[sflag:s25] =	ssyncset.done $0x0  }
0x68: {  	[sflag:s25] =	ssyncadd.s32 $0xFFFFC000  }
0x69: {  	[hbm4b:s6+s23] =	stream.strided.scatter [tilespmem:s17], [sflag:$0x6], $0x4000, s24, s23, $0x38;
	[tilespmem:$0x17000] =	vst v63  }
0x6a: {  	_ =	swait.ge [sflag:s26], $0x4000  }
0x6b: {  	[sflag:s26] =	ssyncset.done $0x0  }
0x6c: {  	[sflag:s26] =	ssyncadd.s32 $0xFFFFC000  }
0x6d: {  	[hbm4b:s7+s23] =	stream.strided.scatter [tilespmem:s19], [sflag:$0x7], $0x4000, s24, s23, $0x38;
	[tilespmem:$0x17000] =	vst v63  }
0x6e: {  	_ =	swait.ge [sflag:s28], $0x4000  }
0x6f: {  	[sflag:s28] =	ssyncset.done $0x0  }
0x70: {  	[sflag:s28] =	ssyncadd.s32 $0xFFFFC000  }
0x71: {  	[hbm4b:s8+s23] =	stream.strided.scatter [tilespmem:s21], [sflag:$0x8], $0x4000, s24, s23, $0x38;
	[tilespmem:$0x17000] =	vst v63  }
0x72: {  	_ =	swait.ge [sflag:s29], $0x4000  }
0x73: {  	[sflag:s29] =	ssyncset.done $0x0  }
0x74: {  	[sflag:s29] =	ssyncadd.s32 $0xFFFFC000  }
0x75: {  	_ =	swait.ge [sflag:s30], $0x4000  }
0x76: {  	[sflag:s30] =	ssyncset.done $0x0  }
0x77: {  	s0 =	sadd.s32 $0x1, s0;
	[sflag:s30] =	ssyncadd.s32 $0xFFFFC000  }
0x78: {  	p0 =	sne.s32 s0, s9;
	_ =	swait.ge [sflag:s31], $0x4000  }
.Ltmp1:
0x79: {  	[sflag:s31] =	ssyncset.done $0x0;
	(pc) =	sbr.rel @p0 .LBB2_1-.Ltmp1, $4  }
0x7a: {  	[sflag:s31] =	ssyncadd.s32 $0xFFFFC000  }
0x7b: {  	_ =	swait.ge [sflag:s1], $0x4000  }
0x7c: {  	[sflag:s1] =	ssyncset.done $0x0  }
0x7d: {  	[sflag:s1] =	ssyncadd.s32 $0xFFFFC000  }
0x7e: {  	_ =	sfence.sel $0x180000  }
0x7f: {  	[bflag:$0x0] =	sbarrier.arrive $0xFFFF  }
0x80: {  	_ =	strace $0x90000047  }
0x81: {  	s0 =	stileid.u32;
	[bflag:$0x2] =	sbarrier.arrive $0xFFFF  }
0x82: {  	p0 =	sne.s32 s0, $0x0;
	s0 =	rddreg [dreg:$0x3]  }
0x83: {  	s0 =	sadd.s32 @!p0 $0x100000, s0  }
0x84: {  	[sflag:s0] =	ssyncadd.tile.s32 @!p0 $0x1;
	_ =	shalt  }
.Lfunc_end2:
_tile_overlayer_lowered:
.L_overlay_start_2:
0x85: {  	(tag) =	ssettag $0x2  }
0x86: {  	s0 =	rddreg [dreg:$0x0];
	s2 =	stileid.u32  }
0x87: {  	s1 =	rddreg [dreg:$0x1];
	p0 =	sne.s32 s2, $0x0  }
0x88: {  	s3 =	rddreg [dreg:$0x2];
	[bflag:$0x3] =	sbarrier.arrive $0xFFFF;
	s2 =	simm.s32 @!p0 $0x1C09  }
0x89: {  	[timem:s3], [sflag:s2] =	dma.local @!p0 [hbm:s0], s1  }
0x8a: {  	s0 =	simm.s32 @!p0 $0x9  }
0x8b: {  	_ =	swait.ge @!p0 [sflag:s0], s1  }
0x8c: {  	s1 =	ssub.s32 @!p0 $0x0, s1;
	[sflag:s0] =	ssyncset.done @!p0 $0x0  }
0x8d: {  	[sflag:s0] =	ssyncadd.s32 @!p0 s1  }
0x8e: {  	[bflag:$0x3] =	sbarrier.arrive $0xFFFF  }
0x8f: {  	_ =	shalt  }

</sc_bundles>
